<compile_context>
chip_gen: v7x
topology: tpu7x:2x2x1
jax: 0.10.2.dev20260603
libtpu: 0.0.44.dev20260713+nightly
codegen_flags: <defaults>
</compile_context>

<pallas_src>
import jax
import jax.numpy as jnp
from jax import lax
from jax.experimental import pallas as pl
from jax.experimental.pallas import tpu as pltpu
from jax.experimental.pallas import tpu_sc as plsc

N = 10000
E = 320000
FIN = 128
HID = 256
FOUT = 128
G = 128
NP_ = 10240
RB = 256
NBLK = NP_ // RB
EB = 128
NW = 32
BPW = 80
NBLKE = NW * BPW
EPAD = NBLKE * EB
CPP = 40
B0 = 80
B1 = 80
RPT = NP_ // 16

_mesh = plsc.VectorSubcoreMesh(core_axis_name="c", subcore_axis_name="s")


def _sc_deg_body(dst_hbm, root_hbm, x_hbm, zero_hbm, ones_hbm,
                 deg_out, xroot_out,
                 acc_sh, idx, onesv, ridx, xr, sem, semA, semB):
    c = lax.axis_index("c")
    s = lax.axis_index("s")
    wid = s * 2 + c
    r0 = s * RPT
    pltpu.sync_copy(zero_hbm.at[pl.ds(r0, RPT)], acc_sh.at[pl.ds(r0, RPT)])
    pltpu.sync_copy(ones_hbm, onesv)

    @pl.when(wid == 0)
    def _():
        pltpu.sync_copy(root_hbm, ridx)
        pltpu.async_copy(x_hbm.at[ridx], xr, sem).wait()
        pltpu.sync_copy(xr, xroot_out)

    plsc.subcore_barrier()

    def body(i, carry):
        base = (wid * BPW + i) * EB
        pltpu.sync_copy(dst_hbm.at[pl.ds(base, EB)], idx)
        pltpu.sync_copy(onesv, acc_sh.at[idx], add=True)
        return carry

    lax.fori_loop(0, BPW, body, 0)
    plsc.subcore_barrier()
    pltpu.sync_copy(acc_sh.at[pl.ds(r0, RPT)],
                    deg_out.at[c, pl.ds(r0, RPT)])


_sc_deg = pl.kernel(
    _sc_deg_body,
    out_type=(jax.ShapeDtypeStruct((2, NP_), jnp.float32),
              jax.ShapeDtypeStruct((G, FIN), jnp.float32)),
    mesh=_mesh,
    scratch_types=[
        pltpu.VMEM_SHARED((NP_,), jnp.float32),
        pltpu.VMEM((EB,), jnp.int32),
        pltpu.VMEM((EB,), jnp.float32),
        pltpu.VMEM((G,), jnp.int32),
        pltpu.VMEM((G, FIN), jnp.float32),
        pltpu.SemaphoreType.DMA,
        pltpu.SemaphoreType.DMA,
        pltpu.SemaphoreType.DMA,
    ],
)


def _sc_agg1_body(src_hbm, dst_hbm, tab_hbm, zero_hbm,
                  parts_out,
                  acc_sh, sidxA, sidxB, didxA, didxB, rowsA, rowsB,
                  semA, semB):
    c = lax.axis_index("c")
    s = lax.axis_index("s")
    r0 = s * RPT
    pltpu.sync_copy(zero_hbm.at[pl.ds(r0, RPT)], acc_sh.at[pl.ds(r0, RPT)])
    plsc.subcore_barrier()

    wid = s * 2 + c

    def body(i, carry):
        base = (wid * BPW + i) * EB
        pltpu.sync_copy(src_hbm.at[pl.ds(base, EB)], sidxA)
        pltpu.async_copy(tab_hbm.at[sidxA], rowsA, semA).wait()
        pltpu.sync_copy(dst_hbm.at[pl.ds(base, EB)], didxA)
        pltpu.sync_copy(rowsA, acc_sh.at[didxA], add=True)
        return carry

    lax.fori_loop(0, BPW, body, 0)

    plsc.subcore_barrier()
    pltpu.sync_copy(acc_sh.at[pl.ds(r0, RPT)],
                    parts_out.at[c, pl.ds(r0, RPT)])


_sc_agg1 = pl.kernel(
    _sc_agg1_body,
    out_type=jax.ShapeDtypeStruct((2, NP_, FIN), jnp.float32),
    mesh=_mesh,
    scratch_types=[
        pltpu.VMEM_SHARED((NP_, FIN), jnp.float32),
        pltpu.VMEM((EB,), jnp.int32),
        pltpu.VMEM((EB,), jnp.int32),
        pltpu.VMEM((EB,), jnp.int32),
        pltpu.VMEM((EB,), jnp.int32),
        pltpu.VMEM((EB, FIN), jnp.float32),
        pltpu.VMEM((EB, FIN), jnp.float32),
        pltpu.SemaphoreType.DMA,
        pltpu.SemaphoreType.DMA,
    ],
)


def _tc_prep_body(dp_ref, x_ref, xs_ref, disb_ref):
    d = jnp.sum(dp_ref[...], axis=0) + 1.0
    disv = lax.rsqrt(d)
    disb = jnp.broadcast_to(disv[:, None], (RB, FIN))
    disb_ref[...] = disb
    xs_ref[...] = disb * x_ref[...]


_tc_prep = pl.pallas_call(
    _tc_prep_body,
    grid=(NBLK,),
    in_specs=[pl.BlockSpec((2, RB), lambda i: (0, i)),
              pl.BlockSpec((RB, FIN), lambda i: (i, 0))],
    out_specs=[pl.BlockSpec((RB, FIN), lambda i: (i, 0)),
               pl.BlockSpec((RB, FIN), lambda i: (i, 0))],
    out_shape=[jax.ShapeDtypeStruct((NP_, FIN), jnp.float32),
               jax.ShapeDtypeStruct((NP_, FIN), jnp.float32)],
)


def _tc_mm1_body(p0_ref, p1_ref, xs_ref, disb_ref, w1_ref, b1_ref, h_ref):
    t = disb_ref[...] * (p0_ref[...] + p1_ref[...] + xs_ref[...])
    h_ref[...] = (jnp.dot(t, w1_ref[...], preferred_element_type=jnp.float32)
                  + b1_ref[...])


_tc_mm1 = pl.pallas_call(
    _tc_mm1_body,
    grid=(NBLK,),
    in_specs=[pl.BlockSpec((RB, FIN), lambda i: (i, 0)),
              pl.BlockSpec((RB, FIN), lambda i: (i, 0)),
              pl.BlockSpec((RB, FIN), lambda i: (i, 0)),
              pl.BlockSpec((RB, FIN), lambda i: (i, 0)),
              pl.BlockSpec((FIN, HID), lambda i: (0, 0)),
              pl.BlockSpec((1, HID), lambda i: (0, 0))],
    out_specs=pl.BlockSpec((RB, HID), lambda i: (i, 0)),
    out_shape=jax.ShapeDtypeStruct((NP_, HID), jnp.float32),
)


def _tc_r_body(xr_ref, w2b_ref, r_ref):
    r_ref[...] = jnp.dot(jnp.maximum(xr_ref[...], 0.0), w2b_ref[...],
                         preferred_element_type=jnp.float32)


_tc_r = pl.pallas_call(
    _tc_r_body,
    out_shape=jax.ShapeDtypeStruct((G, FOUT), jnp.float32),
)


def _tc_mm2_body(h_ref, w2a_ref, r_ref, b3_ref, disb_ref, z_ref):
    i = pl.program_id(0)
    zb = jnp.dot(jnp.maximum(h_ref[...], 0.0), w2a_ref[...],
                 preferred_element_type=jnp.float32)
    bv = b3_ref[...][0, 0]
    gid = lax.broadcasted_iota(jnp.int32, (RB, G), 1)
    oh = (bv[:, None] == gid).astype(jnp.float32)
    rb = jnp.dot(oh, r_ref[...], preferred_element_type=jnp.float32)
    rowid = i * RB + lax.broadcasted_iota(jnp.int32, (RB, FOUT), 0)
    z = disb_ref[...] * (zb + rb)
    z_ref[...] = jnp.where(rowid < N, z, 0.0)


_tc_mm2 = pl.pallas_call(
    _tc_mm2_body,
    grid=(NBLK,),
    in_specs=[pl.BlockSpec((RB, HID), lambda i: (i, 0)),
              pl.BlockSpec((HID, FOUT), lambda i: (0, 0)),
              pl.BlockSpec((G, FOUT), lambda i: (0, 0)),
              pl.BlockSpec((1, 1, RB), lambda i: (i, 0, 0)),
              pl.BlockSpec((RB, FIN), lambda i: (i, 0))],
    out_specs=pl.BlockSpec((RB, FOUT), lambda i: (i, 0)),
    out_shape=jax.ShapeDtypeStruct((NP_, FOUT), jnp.float32),
)


def _tc_final_body(q0_ref, q1_ref, z_ref, disb_ref, b2_ref, b3_ref, h_ref,
                   root3_ref, out_ref, sacc, cacc, hracc):
    i = pl.program_id(0)
    w = jnp.maximum(
        disb_ref[...] * (q0_ref[...] + q1_ref[...] + z_ref[...]) + b2_ref[...],
        0.0)
    bv = b3_ref[...][0, 0]
    gid = lax.broadcasted_iota(jnp.int32, (RB, G), 1)
    oh = (bv[:, None] == gid).astype(jnp.float32)
    dnum = (((0,), (0,)), ((), ()))
    scon = lax.dot_general(oh, w, dnum, preferred_element_type=jnp.float32)
    ccon = lax.dot_general(oh, jnp.ones((RB, FOUT), jnp.float32), dnum,
                           preferred_element_type=jnp.float32)
    rv = root3_ref[...][0, 0]
    rowid = i * RB + lax.broadcasted_iota(jnp.int32, (RB, G), 0)
    ohr = (rowid == rv[None, :]).astype(jnp.float32)
    rcon = lax.dot_general(ohr, h_ref[...], dnum,
                           preferred_element_type=jnp.float32)

    @pl.when(i == 0)
    def _():
        sacc[...] = scon
        cacc[...] = ccon
        hracc[...] = rcon

    @pl.when(i > 0)
    def _():
        sacc[...] += scon
        cacc[...] += ccon
        hracc[...] += rcon

    @pl.when(i == NBLK - 1)
    def _():
        cnt = cacc[...]
        pooled = sacc[...] / jnp.maximum(cnt, 1.0)
        alive = jnp.broadcast_to((cnt[:, :1] > 0.0), (G, HID)).astype(
            jnp.float32)
        out_ref[...] = jnp.concatenate([pooled, hracc[...] * alive],
                                       axis=1)


_tc_final = pl.pallas_call(
    _tc_final_body,
    grid=(NBLK,),
    in_specs=[pl.BlockSpec((RB, FOUT), lambda i: (i, 0)),
              pl.BlockSpec((RB, FOUT), lambda i: (i, 0)),
              pl.BlockSpec((RB, FOUT), lambda i: (i, 0)),
              pl.BlockSpec((RB, FIN), lambda i: (i, 0)),
              pl.BlockSpec((1, FOUT), lambda i: (0, 0)),
              pl.BlockSpec((1, 1, RB), lambda i: (i, 0, 0)),
              pl.BlockSpec((RB, HID), lambda i: (i, 0)),
              pl.BlockSpec((1, 1, G), lambda i: (0, 0, 0))],
    out_specs=pl.BlockSpec((G, FOUT + HID), lambda i: (0, 0)),
    out_shape=jax.ShapeDtypeStruct((G, FOUT + HID), jnp.float32),
    scratch_shapes=[pltpu.VMEM((G, FOUT), jnp.float32),
                    pltpu.VMEM((G, FOUT), jnp.float32),
                    pltpu.VMEM((G, HID), jnp.float32)],
)


def kernel(x, W1, b1, W2, b2, edge_index, rootindex, batch):
    x = x.astype(jnp.float32)
    src = edge_index[0].astype(jnp.int32)
    dst = edge_index[1].astype(jnp.int32)
    pad_e = jnp.full((EPAD - E,), N, jnp.int32)
    srcp = jnp.concatenate([src, pad_e])
    dstp = jnp.concatenate([dst, pad_e])
    xpad = jnp.pad(x, ((0, NP_ - N), (0, 0)))
    batchp = jnp.pad(batch.astype(jnp.int32), (0, NP_ - N),
                     constant_values=G).reshape(NBLK, 1, RB)
    zeros1 = jnp.zeros((NP_,), jnp.float32)
    zeros2 = jnp.zeros((NP_, FIN), jnp.float32)
    onese = jnp.ones((EB,), jnp.float32)
    root = rootindex.astype(jnp.int32)
    W2a = W2[:HID]
    W2b = W2[HID:]
    b1r = b1.reshape(1, HID)
    b2r = b2.reshape(1, FOUT)

    deg_parts, xroot = _sc_deg(dstp, root, xpad, zeros1, onese)
    xs, disb = _tc_prep(deg_parts, xpad)
    parts1 = _sc_agg1(srcp, dstp, xs, zeros2)
    h = _tc_mm1(parts1[0], parts1[1], xs, disb, W1, b1r)
    r = _tc_r(xroot, W2b)
    z = _tc_mm2(h, W2a, r, batchp, disb)
    parts2 = _sc_agg1(srcp, dstp, z, zeros2)
    root3 = root.reshape(1, 1, G)
    out = _tc_final(parts2[0], parts2[1], z, disb, b2r, batchp, h, root3)
    return out

# --- scband reference (transcript-rebuilt; emitter-appended) ---
"""Pipeline reference for scband-tdrumor-gcn-32152125178134 (READ-ONLY COPY).

The authoritative reference and input builder live on the scoring server;
editing this copy changes nothing except your own understanding.
"""

import jax, jax.numpy as jnp
import numpy as np

NUM_NODES = 10000
NUM_EDGES = 320000
IN_FEATS = 128
HID_FEATS = 256
OUT_FEATS = 128
NUM_GRAPHS = 128


def _glorot(key, shape):
    fan_in, fan_out = shape[0], shape[1]
    limit = jnp.sqrt(6.0 / (fan_in + fan_out))
    return jax.random.uniform(key, shape, minval=-limit, maxval=limit, dtype=jnp.float32)


def setup_inputs(seed: int = 0) -> dict:
    key = jax.random.key(seed)
    ks = jax.random.split(key, 8)
    x = jax.random.normal(ks[0], (NUM_NODES, IN_FEATS), dtype=jnp.float32)
    edge_index = jax.random.randint(ks[1], (2, NUM_EDGES), 0, NUM_NODES, dtype=jnp.int64 if jax.config.jax_enable_x64 else jnp.int32).astype(jnp.int32)
    rootindex = jax.random.randint(ks[2], (NUM_GRAPHS,), 0, NUM_NODES).astype(jnp.int32)
    batch = jnp.sort(jax.random.randint(ks[3], (NUM_NODES,), 0, NUM_GRAPHS)).astype(jnp.int32)
    # pin endpoints so that max(batch)+1 == NUM_GRAPHS deterministically
    batch = batch.at[0].set(0).at[-1].set(NUM_GRAPHS - 1)
    W1 = _glorot(ks[4], (IN_FEATS, HID_FEATS))
    b1 = jnp.zeros((HID_FEATS,), dtype=jnp.float32)
    W2 = _glorot(ks[5], (HID_FEATS + IN_FEATS, OUT_FEATS))
    b2 = jnp.zeros((OUT_FEATS,), dtype=jnp.float32)
    return {"x": x, "W1": W1, "b1": b1, "W2": W2, "b2": b2,
            "edge_index": edge_index, "rootindex": rootindex, "batch": batch}


def _gcn_conv(x, edge_index, W, b, num_nodes):
    # GCNConv: x' = D^{-1/2} (A + I) D^{-1/2} X W + b
    src = edge_index[0]
    dst = edge_index[1]
    loop = jnp.arange(num_nodes, dtype=src.dtype)
    src = jnp.concatenate([src, loop])
    dst = jnp.concatenate([dst, loop])
    deg = jnp.zeros((num_nodes,), dtype=jnp.float32).at[dst].add(1.0)
    deg_inv_sqrt = jnp.where(deg > 0, 1.0 / jnp.sqrt(deg), 0.0)
    norm = deg_inv_sqrt[src] * deg_inv_sqrt[dst]
    xw = x @ W
    msg = jnp.take(xw, src, axis=0) * norm[:, None]
    out = jax.ops.segment_sum(msg, dst, num_segments=num_nodes)
    return out + b


def reference(x, W1, b1, W2, b2, edge_index, rootindex, batch):
    N = x.shape[0]
    x1 = x.astype(jnp.float32)
    h = _gcn_conv(x, edge_index, W1, b1, N)
    x2 = h
    # root_extend: for each node i, take features of the root node of its graph
    root_extend = jnp.take(x1, jnp.take(rootindex, batch, axis=0), axis=0)
    h = jnp.concatenate([h, root_extend], axis=1)
    h = jax.nn.relu(h)
    # F.dropout with training=False is identity (eval mode)
    h = _gcn_conv(h, edge_index, W2, b2, N)
    h = jax.nn.relu(h)
    root_extend2 = jnp.take(x2, jnp.take(rootindex, batch, axis=0), axis=0)
    h = jnp.concatenate([h, root_extend2], axis=1)
    num_graphs = NUM_GRAPHS
    sums = jax.ops.segment_sum(h, batch, num_segments=num_graphs)
    counts = jax.ops.segment_sum(jnp.ones((N,), dtype=jnp.float32), batch, num_segments=num_graphs)
    out = sums / jnp.clip(counts, 1.0)[:, None]
    return out

if __name__ == "__main__":
    import jax
    _d = setup_inputs()
    print(jax.jit(kernel)(*tuple(_d.values())))

</pallas_src>

<mosaic_0001>
#map = affine_map<(d0, d1) -> (0)>
#map1 = affine_map<(d0, d1) -> (0, 0)>
#map2 = affine_map<(d0, d1) -> (0, 0, 0)>
module attributes {stable_mosaic.version = 14 : i64} {
  func.func @_sc_agg1_body(%arg0: i32, %arg1: i32, %arg2: memref<327680xi32, #tpu.memory_space<hbm>>, %arg3: memref<327680xi32, #tpu.memory_space<hbm>>, %arg4: memref<10240x128xf32, #tpu.memory_space<hbm>>, %arg5: memref<10240x128xf32, #tpu.memory_space<hbm>>, %arg6: memref<2x10240x128xf32, #tpu.memory_space<hbm>>, %arg7: memref<10240x128xf32, #tpu.memory_space<vmem_shared>>, %arg8: memref<128xi32, #tpu.memory_space<vmem>>, %arg9: memref<128xi32, #tpu.memory_space<vmem>>, %arg10: memref<128xi32, #tpu.memory_space<vmem>>, %arg11: memref<128xi32, #tpu.memory_space<vmem>>, %arg12: memref<128x128xf32, #tpu.memory_space<vmem>>, %arg13: memref<128x128xf32, #tpu.memory_space<vmem>>, %arg14: memref<!tpu.dma_semaphore, #tpu.memory_space<semaphore_mem>>, %arg15: memref<!tpu.dma_semaphore, #tpu.memory_space<semaphore_mem>>) attributes {dimension_semantics = [#tpu.dimension_semantics<core_parallel>, #tpu.dimension_semantics<subcore_parallel>], iteration_bounds = array<i64: 2, 16>, scalar_prefetch = 0 : i64, scratch_operands = 9 : i64, tpu.core_type = #tpu.core_type<sc_vector_subcore>, window_params = [{transform_indices = #map}, {transform_indices = #map}, {transform_indices = #map1}, {transform_indices = #map1}, {transform_indices = #map2}]} {
    %mul3A = arith.constant 640 : i32
    %mul3A_0 = arith.muli %arg1, %mul3A : i32
    "tpu.region"() ({
      %run_scoped3A = tpu.sem_alloc : memref<!tpu.dma_semaphore, #tpu.memory_space<semaphore_mem>>
      %dma_start3A = arith.constant 0 : i32
      %dma_start3A_9 = tpu.memref_slice %arg7[%mul3A_0, %dma_start3A] : memref<10240x128xf32, #tpu.memory_space<vmem_shared>> -> memref<640x128xf32, #tpu.memory_space<vmem_shared>>
      %dma_start3A_10 = arith.constant 0 : i32
      %dma_start3A_11 = tpu.memref_slice %arg5[%mul3A_0, %dma_start3A_10] : memref<10240x128xf32, #tpu.memory_space<hbm>> -> memref<640x128xf32, #tpu.memory_space<hbm>>
      tpu.enqueue_dma source(%dma_start3A_11 : memref<640x128xf32, #tpu.memory_space<hbm>>) target(%dma_start3A_9 : memref<640x128xf32, #tpu.memory_space<vmem_shared>>) target_semaphore(%run_scoped3A : memref<!tpu.dma_semaphore, #tpu.memory_space<semaphore_mem>>)
      %dma_wait3A = arith.constant 0 : i32
      %dma_wait3A_12 = tpu.memref_slice %arg7[%mul3A_0, %dma_wait3A] : memref<10240x128xf32, #tpu.memory_space<vmem_shared>> -> memref<640x128xf32, #tpu.memory_space<vmem_shared>>
      %dma_wait3A_13 = arith.constant 0 : i32
      %dma_wait3A_14 = tpu.memref_slice %arg5[%mul3A_0, %dma_wait3A_13] : memref<10240x128xf32, #tpu.memory_space<hbm>> -> memref<640x128xf32, #tpu.memory_space<hbm>>
      tpu.wait_dma2 semaphore(%run_scoped3A : memref<!tpu.dma_semaphore, #tpu.memory_space<semaphore_mem>>) src(%dma_wait3A_14 : memref<640x128xf32, #tpu.memory_space<hbm>>) dst(%dma_wait3A_12 : memref<640x128xf32, #tpu.memory_space<vmem_shared>>)
      tpu.yield
    }) : () -> ()
    %barrier3A = arith.constant 0 : index
    tpu.barrier barrier_id(%barrier3A)
    %mul3A_1 = arith.constant 2 : i32
    %mul3A_2 = arith.muli %arg1, %mul3A_1 : i32
    %add3A = arith.addi %mul3A_2, %arg0 : i32
    %scan3A = arith.constant 0 : i32
    %scan3A_3 = arith.constant 0 : i32
    %scan3A_4 = arith.constant 80 : i32
    %scan3A_5 = arith.addi %scan3A_3, %scan3A_4 : i32
    %scan3A_6 = arith.constant 1 : i32
    scf.for %scan3A_9 = %scan3A_3 to %scan3A_5 step %scan3A_6  : i32 {
      %mul3A_10 = arith.constant 80 : i32
      %mul3A_11 = arith.muli %add3A, %mul3A_10 : i32
      %add3A_12 = arith.addi %mul3A_11, %scan3A_9 : i32
      %mul3A_13 = arith.constant 128 : i32
      %mul3A_14 = arith.muli %add3A_12, %mul3A_13 : i32
      "tpu.region"() ({
        %run_scoped3A = tpu.sem_alloc : memref<!tpu.dma_semaphore, #tpu.memory_space<semaphore_mem>>
        %dma_start3A_19 = tpu.memref_slice %arg2[%mul3A_14] : memref<327680xi32, #tpu.memory_space<hbm>> -> memref<128xi32, #tpu.memory_space<hbm>>
        %dma_start3A_20 = tpu.memref_slice %arg2[%mul3A_14] : memref<327680xi32, #tpu.memory_space<hbm>> -> memref<128xi32, #tpu.memory_space<hbm>>
        tpu.enqueue_dma source(%dma_start3A_20 : memref<128xi32, #tpu.memory_space<hbm>>) target(%arg8 : memref<128xi32, #tpu.memory_space<vmem>>) target_semaphore(%run_scoped3A : memref<!tpu.dma_semaphore, #tpu.memory_space<semaphore_mem>>)
        %dma_wait3A_21 = tpu.memref_slice %arg2[%mul3A_14] : memref<327680xi32, #tpu.memory_space<hbm>> -> memref<128xi32, #tpu.memory_space<hbm>>
        %dma_wait3A_22 = tpu.memref_slice %arg2[%mul3A_14] : memref<327680xi32, #tpu.memory_space<hbm>> -> memref<128xi32, #tpu.memory_space<hbm>>
        tpu.wait_dma2 semaphore(%run_scoped3A : memref<!tpu.dma_semaphore, #tpu.memory_space<semaphore_mem>>) src(%dma_wait3A_22 : memref<128xi32, #tpu.memory_space<hbm>>) dst(%arg8 : memref<128xi32, #tpu.memory_space<vmem>>)
        tpu.yield
      }) : () -> ()
      %dma_start3A = arith.constant 0 : i32
      %dma_start3A_15 = arith.constant 0 : i32
      %dma_start3A_16 = tpu.memref_slice %arg4[%dma_start3A, %dma_start3A_15] : memref<10240x128xf32, #tpu.memory_space<hbm>> -> memref<10240x128xf32, #tpu.memory_space<hbm>>
      tpu.enqueue_indirect_dma source(%dma_start3A_16 : memref<10240x128xf32, #tpu.memory_space<hbm>>) target(%arg12 : memref<128x128xf32, #tpu.memory_space<vmem>>) offsets(%arg8 : memref<128xi32, #tpu.memory_space<vmem>>) semaphore(%arg14 : memref<!tpu.dma_semaphore, #tpu.memory_space<semaphore_mem>>)
      %dma_wait3A = arith.constant 0 : i32
      %dma_wait3A_17 = arith.constant 0 : i32
      %dma_wait3A_18 = tpu.memref_slice %arg4[%dma_wait3A, %dma_wait3A_17] : memref<10240x128xf32, #tpu.memory_space<hbm>> -> memref<10240x128xf32, #tpu.memory_space<hbm>>
      tpu.wait_indirect_dma semaphore(%arg14 : memref<!tpu.dma_semaphore, #tpu.memory_space<semaphore_mem>>) src(%dma_wait3A_18 : memref<10240x128xf32, #tpu.memory_space<hbm>>) dst(%arg12 : memref<128x128xf32, #tpu.memory_space<vmem>>)
      "tpu.region"() ({
        %run_scoped3A = tpu.sem_alloc : memref<!tpu.dma_semaphore, #tpu.memory_space<semaphore_mem>>
        %dma_start3A_19 = tpu.memref_slice %arg3[%mul3A_14] : memref<327680xi32, #tpu.memory_space<hbm>> -> memref<128xi32, #tpu.memory_space<hbm>>
        %dma_start3A_20 = tpu.memref_slice %arg3[%mul3A_14] : memref<327680xi32, #tpu.memory_space<hbm>> -> memref<128xi32, #tpu.memory_space<hbm>>
        tpu.enqueue_dma source(%dma_start3A_20 : memref<128xi32, #tpu.memory_space<hbm>>) target(%arg10 : memref<128xi32, #tpu.memory_space<vmem>>) target_semaphore(%run_scoped3A : memref<!tpu.dma_semaphore, #tpu.memory_space<semaphore_mem>>)
        %dma_wait3A_21 = tpu.memref_slice %arg3[%mul3A_14] : memref<327680xi32, #tpu.memory_space<hbm>> -> memref<128xi32, #tpu.memory_space<hbm>>
        %dma_wait3A_22 = tpu.memref_slice %arg3[%mul3A_14] : memref<327680xi32, #tpu.memory_space<hbm>> -> memref<128xi32, #tpu.memory_space<hbm>>
        tpu.wait_dma2 semaphore(%run_scoped3A : memref<!tpu.dma_semaphore, #tpu.memory_space<semaphore_mem>>) src(%dma_wait3A_22 : memref<128xi32, #tpu.memory_space<hbm>>) dst(%arg10 : memref<128xi32, #tpu.memory_space<vmem>>)
        tpu.yield
      }) : () -> ()
      "tpu.region"() ({
        %run_scoped3A = tpu.sem_alloc : memref<!tpu.dma_semaphore, #tpu.memory_space<semaphore_mem>>
        %dma_start3A_19 = arith.constant 0 : i32
        %dma_start3A_20 = arith.constant 0 : i32
        %dma_start3A_21 = tpu.memref_slice %arg7[%dma_start3A_19, %dma_start3A_20] : memref<10240x128xf32, #tpu.memory_space<vmem_shared>> -> memref<10240x128xf32, #tpu.memory_space<vmem_shared>>
        tpu.enqueue_indirect_dma source(%arg12 : memref<128x128xf32, #tpu.memory_space<vmem>>) target(%dma_start3A_21 : memref<10240x128xf32, #tpu.memory_space<vmem_shared>>) offsets(%arg10 : memref<128xi32, #tpu.memory_space<vmem>>) semaphore(%run_scoped3A : memref<!tpu.dma_semaphore, #tpu.memory_space<semaphore_mem>>) {add = true}
        %dma_wait3A_22 = arith.constant 0 : i32
        %dma_wait3A_23 = arith.constant 0 : i32
        %dma_wait3A_24 = tpu.memref_slice %arg7[%dma_wait3A_22, %dma_wait3A_23] : memref<10240x128xf32, #tpu.memory_space<vmem_shared>> -> memref<10240x128xf32, #tpu.memory_space<vmem_shared>>
        tpu.wait_indirect_dma semaphore(%run_scoped3A : memref<!tpu.dma_semaphore, #tpu.memory_space<semaphore_mem>>) src(%arg12 : memref<128x128xf32, #tpu.memory_space<vmem>>) dst(%dma_wait3A_24 : memref<10240x128xf32, #tpu.memory_space<vmem_shared>>)
        tpu.yield
      }) : () -> ()
    }
    %scan3A_7 = arith.constant 80 : i32
    %barrier3A_8 = arith.constant 0 : index
    tpu.barrier barrier_id(%barrier3A_8)
    "tpu.region"() ({
      %run_scoped3A = tpu.sem_alloc : memref<!tpu.dma_semaphore, #tpu.memory_space<semaphore_mem>>
      %dma_start3A = arith.constant 0 : i32
      %dma_start3A_9 = tpu.memref_slice %arg6[%arg0, %mul3A_0, %dma_start3A] : memref<2x10240x128xf32, #tpu.memory_space<hbm>> -> memref<1x640x128xf32, #tpu.memory_space<hbm>>
      %dma_start3A_10 = tpu.memref_squeeze %dma_start3A_9 : memref<1x640x128xf32, #tpu.memory_space<hbm>> -> memref<640x128xf32, #tpu.memory_space<hbm>>
      %dma_start3A_11 = arith.constant 0 : i32
      %dma_start3A_12 = tpu.memref_slice %arg7[%mul3A_0, %dma_start3A_11] : memref<10240x128xf32, #tpu.memory_space<vmem_shared>> -> memref<640x128xf32, #tpu.memory_space<vmem_shared>>
      tpu.enqueue_dma source(%dma_start3A_12 : memref<640x128xf32, #tpu.memory_space<vmem_shared>>) target(%dma_start3A_10 : memref<640x128xf32, #tpu.memory_space<hbm>>) target_semaphore(%run_scoped3A : memref<!tpu.dma_semaphore, #tpu.memory_space<semaphore_mem>>)
      %dma_wait3A = arith.constant 0 : i32
      %dma_wait3A_13 = tpu.memref_slice %arg6[%arg0, %mul3A_0, %dma_wait3A] : memref<2x10240x128xf32, #tpu.memory_space<hbm>> -> memref<1x640x128xf32, #tpu.memory_space<hbm>>
      %dma_wait3A_14 = tpu.memref_squeeze %dma_wait3A_13 : memref<1x640x128xf32, #tpu.memory_space<hbm>> -> memref<640x128xf32, #tpu.memory_space<hbm>>
      %dma_wait3A_15 = arith.constant 0 : i32
      %dma_wait3A_16 = tpu.memref_slice %arg7[%mul3A_0, %dma_wait3A_15] : memref<10240x128xf32, #tpu.memory_space<vmem_shared>> -> memref<640x128xf32, #tpu.memory_space<vmem_shared>>
      tpu.wait_dma2 semaphore(%run_scoped3A : memref<!tpu.dma_semaphore, #tpu.memory_space<semaphore_mem>>) src(%dma_wait3A_16 : memref<640x128xf32, #tpu.memory_space<vmem_shared>>) dst(%dma_wait3A_14 : memref<640x128xf32, #tpu.memory_space<hbm>>)
      tpu.yield
    }) : () -> ()
    return
  }
}

#map = affine_map<(d0, d1) -> (0)>
#map1 = affine_map<(d0, d1) -> (0, 0)>
#map2 = affine_map<(d0, d1) -> (0, 0, 0)>
module attributes {stable_mosaic.version = 14 : i64} {
  func.func @_sc_agg1_body(%arg0: i32, %arg1: i32, %arg2: memref<327680xi32, #tpu.memory_space<hbm>>, %arg3: memref<327680xi32, #tpu.memory_space<hbm>>, %arg4: memref<10240x128xf32, #tpu.memory_space<hbm>>, %arg5: memref<10240x128xf32, #tpu.memory_space<hbm>>, %arg6: memref<2x10240x128xf32, #tpu.memory_space<hbm>>, %arg7: memref<10240x128xf32, #tpu.memory_space<vmem_shared>>, %arg8: memref<128xi32, #tpu.memory_space<vmem>>, %arg9: memref<128xi32, #tpu.memory_space<vmem>>, %arg10: memref<128xi32, #tpu.memory_space<vmem>>, %arg11: memref<128xi32, #tpu.memory_space<vmem>>, %arg12: memref<128x128xf32, #tpu.memory_space<vmem>>, %arg13: memref<128x128xf32, #tpu.memory_space<vmem>>, %arg14: memref<!tpu.dma_semaphore, #tpu.memory_space<semaphore_mem>>, %arg15: memref<!tpu.dma_semaphore, #tpu.memory_space<semaphore_mem>>) attributes {dimension_semantics = [#tpu.dimension_semantics<core_parallel>, #tpu.dimension_semantics<subcore_parallel>], iteration_bounds = array<i64: 2, 16>, scalar_prefetch = 0 : i64, scratch_operands = 9 : i64, tpu.core_type = #tpu.core_type<sc_vector_subcore>, window_params = [{transform_indices = #map}, {transform_indices = #map}, {transform_indices = #map1}, {transform_indices = #map1}, {transform_indices = #map2}]} {
    %mul3A = arith.constant 640 : i32
    %mul3A_0 = arith.muli %arg1, %mul3A : i32
    "tpu.region"() ({
      %run_scoped3A = tpu.sem_alloc : memref<!tpu.dma_semaphore, #tpu.memory_space<semaphore_mem>>
      %dma_start3A = arith.constant 0 : i32
      %dma_start3A_9 = tpu.memref_slice %arg7[%mul3A_0, %dma_start3A] : memref<10240x128xf32, #tpu.memory_space<vmem_shared>> -> memref<640x128xf32, #tpu.memory_space<vmem_shared>>
      %dma_start3A_10 = arith.constant 0 : i32
      %dma_start3A_11 = tpu.memref_slice %arg5[%mul3A_0, %dma_start3A_10] : memref<10240x128xf32, #tpu.memory_space<hbm>> -> memref<640x128xf32, #tpu.memory_space<hbm>>
      tpu.enqueue_dma source(%dma_start3A_11 : memref<640x128xf32, #tpu.memory_space<hbm>>) target(%dma_start3A_9 : memref<640x128xf32, #tpu.memory_space<vmem_shared>>) target_semaphore(%run_scoped3A : memref<!tpu.dma_semaphore, #tpu.memory_space<semaphore_mem>>)
      %dma_wait3A = arith.constant 0 : i32
      %dma_wait3A_12 = tpu.memref_slice %arg7[%mul3A_0, %dma_wait3A] : memref<10240x128xf32, #tpu.memory_space<vmem_shared>> -> memref<640x128xf32, #tpu.memory_space<vmem_shared>>
      %dma_wait3A_13 = arith.constant 0 : i32
      %dma_wait3A_14 = tpu.memref_slice %arg5[%mul3A_0, %dma_wait3A_13] : memref<10240x128xf32, #tpu.memory_space<hbm>> -> memref<640x128xf32, #tpu.memory_space<hbm>>
      tpu.wait_dma2 semaphore(%run_scoped3A : memref<!tpu.dma_semaphore, #tpu.memory_space<semaphore_mem>>) src(%dma_wait3A_14 : memref<640x128xf32, #tpu.memory_space<hbm>>) dst(%dma_wait3A_12 : memref<640x128xf32, #tpu.memory_space<vmem_shared>>)
      tpu.yield
    }) : () -> ()
    %barrier3A = arith.constant 0 : index
    tpu.barrier barrier_id(%barrier3A)
    %mul3A_1 = arith.constant 2 : i32
    %mul3A_2 = arith.muli %arg1, %mul3A_1 : i32
    %add3A = arith.addi %mul3A_2, %arg0 : i32
    %scan3A = arith.constant 0 : i32
    %scan3A_3 = arith.constant 0 : i32
    %scan3A_4 = arith.constant 80 : i32
    %scan3A_5 = arith.addi %scan3A_3, %scan3A_4 : i32
    %scan3A_6 = arith.constant 1 : i32
    scf.for %scan3A_9 = %scan3A_3 to %scan3A_5 step %scan3A_6  : i32 {
      %mul3A_10 = arith.constant 80 : i32
      %mul3A_11 = arith.muli %add3A, %mul3A_10 : i32
      %add3A_12 = arith.addi %mul3A_11, %scan3A_9 : i32
      %mul3A_13 = arith.constant 128 : i32
      %mul3A_14 = arith.muli %add3A_12, %mul3A_13 : i32
      "tpu.region"() ({
        %run_scoped3A = tpu.sem_alloc : memref<!tpu.dma_semaphore, #tpu.memory_space<semaphore_mem>>
        %dma_start3A_19 = tpu.memref_slice %arg2[%mul3A_14] : memref<327680xi32, #tpu.memory_space<hbm>> -> memref<128xi32, #tpu.memory_space<hbm>>
        %dma_start3A_20 = tpu.memref_slice %arg2[%mul3A_14] : memref<327680xi32, #tpu.memory_space<hbm>> -> memref<128xi32, #tpu.memory_space<hbm>>
        tpu.enqueue_dma source(%dma_start3A_20 : memref<128xi32, #tpu.memory_space<hbm>>) target(%arg8 : memref<128xi32, #tpu.memory_space<vmem>>) target_semaphore(%run_scoped3A : memref<!tpu.dma_semaphore, #tpu.memory_space<semaphore_mem>>)
        %dma_wait3A_21 = tpu.memref_slice %arg2[%mul3A_14] : memref<327680xi32, #tpu.memory_space<hbm>> -> memref<128xi32, #tpu.memory_space<hbm>>
        %dma_wait3A_22 = tpu.memref_slice %arg2[%mul3A_14] : memref<327680xi32, #tpu.memory_space<hbm>> -> memref<128xi32, #tpu.memory_space<hbm>>
        tpu.wait_dma2 semaphore(%run_scoped3A : memref<!tpu.dma_semaphore, #tpu.memory_space<semaphore_mem>>) src(%dma_wait3A_22 : memref<128xi32, #tpu.memory_space<hbm>>) dst(%arg8 : memref<128xi32, #tpu.memory_space<vmem>>)
        tpu.yield
      }) : () -> ()
      %dma_start3A = arith.constant 0 : i32
      %dma_start3A_15 = arith.constant 0 : i32
      %dma_start3A_16 = tpu.memref_slice %arg4[%dma_start3A, %dma_start3A_15] : memref<10240x128xf32, #tpu.memory_space<hbm>> -> memref<10240x128xf32, #tpu.memory_space<hbm>>
      tpu.enqueue_indirect_dma source(%dma_start3A_16 : memref<10240x128xf32, #tpu.memory_space<hbm>>) target(%arg12 : memref<128x128xf32, #tpu.memory_space<vmem>>) offsets(%arg8 : memref<128xi32, #tpu.memory_space<vmem>>) semaphore(%arg14 : memref<!tpu.dma_semaphore, #tpu.memory_space<semaphore_mem>>)
      %dma_wait3A = arith.constant 0 : i32
      %dma_wait3A_17 = arith.constant 0 : i32
      %dma_wait3A_18 = tpu.memref_slice %arg4[%dma_wait3A, %dma_wait3A_17] : memref<10240x128xf32, #tpu.memory_space<hbm>> -> memref<10240x128xf32, #tpu.memory_space<hbm>>
      tpu.wait_indirect_dma semaphore(%arg14 : memref<!tpu.dma_semaphore, #tpu.memory_space<semaphore_mem>>) src(%dma_wait3A_18 : memref<10240x128xf32, #tpu.memory_space<hbm>>) dst(%arg12 : memref<128x128xf32, #tpu.memory_space<vmem>>)
      "tpu.region"() ({
        %run_scoped3A = tpu.sem_alloc : memref<!tpu.dma_semaphore, #tpu.memory_space<semaphore_mem>>
        %dma_start3A_19 = tpu.memref_slice %arg3[%mul3A_14] : memref<327680xi32, #tpu.memory_space<hbm>> -> memref<128xi32, #tpu.memory_space<hbm>>
        %dma_start3A_20 = tpu.memref_slice %arg3[%mul3A_14] : memref<327680xi32, #tpu.memory_space<hbm>> -> memref<128xi32, #tpu.memory_space<hbm>>
        tpu.enqueue_dma source(%dma_start3A_20 : memref<128xi32, #tpu.memory_space<hbm>>) target(%arg10 : memref<128xi32, #tpu.memory_space<vmem>>) target_semaphore(%run_scoped3A : memref<!tpu.dma_semaphore, #tpu.memory_space<semaphore_mem>>)
        %dma_wait3A_21 = tpu.memref_slice %arg3[%mul3A_14] : memref<327680xi32, #tpu.memory_space<hbm>> -> memref<128xi32, #tpu.memory_space<hbm>>
        %dma_wait3A_22 = tpu.memref_slice %arg3[%mul3A_14] : memref<327680xi32, #tpu.memory_space<hbm>> -> memref<128xi32, #tpu.memory_space<hbm>>
        tpu.wait_dma2 semaphore(%run_scoped3A : memref<!tpu.dma_semaphore, #tpu.memory_space<semaphore_mem>>) src(%dma_wait3A_22 : memref<128xi32, #tpu.memory_space<hbm>>) dst(%arg10 : memref<128xi32, #tpu.memory_space<vmem>>)
        tpu.yield
      }) : () -> ()
      "tpu.region"() ({
        %run_scoped3A = tpu.sem_alloc : memref<!tpu.dma_semaphore, #tpu.memory_space<semaphore_mem>>
        %dma_start3A_19 = arith.constant 0 : i32
        %dma_start3A_20 = arith.constant 0 : i32
        %dma_start3A_21 = tpu.memref_slice %arg7[%dma_start3A_19, %dma_start3A_20] : memref<10240x128xf32, #tpu.memory_space<vmem_shared>> -> memref<10240x128xf32, #tpu.memory_space<vmem_shared>>
        tpu.enqueue_indirect_dma source(%arg12 : memref<128x128xf32, #tpu.memory_space<vmem>>) target(%dma_start3A_21 : memref<10240x128xf32, #tpu.memory_space<vmem_shared>>) offsets(%arg10 : memref<128xi32, #tpu.memory_space<vmem>>) semaphore(%run_scoped3A : memref<!tpu.dma_semaphore, #tpu.memory_space<semaphore_mem>>) {add = true}
        %dma_wait3A_22 = arith.constant 0 : i32
        %dma_wait3A_23 = arith.constant 0 : i32
        %dma_wait3A_24 = tpu.memref_slice %arg7[%dma_wait3A_22, %dma_wait3A_23] : memref<10240x128xf32, #tpu.memory_space<vmem_shared>> -> memref<10240x128xf32, #tpu.memory_space<vmem_shared>>
        tpu.wait_indirect_dma semaphore(%run_scoped3A : memref<!tpu.dma_semaphore, #tpu.memory_space<semaphore_mem>>) src(%arg12 : memref<128x128xf32, #tpu.memory_space<vmem>>) dst(%dma_wait3A_24 : memref<10240x128xf32, #tpu.memory_space<vmem_shared>>)
        tpu.yield
      }) : () -> ()
    }
    %scan3A_7 = arith.constant 80 : i32
    %barrier3A_8 = arith.constant 0 : index
    tpu.barrier barrier_id(%barrier3A_8)
    "tpu.region"() ({
      %run_scoped3A = tpu.sem_alloc : memref<!tpu.dma_semaphore, #tpu.memory_space<semaphore_mem>>
      %dma_start3A = arith.constant 0 : i32
      %dma_start3A_9 = tpu.memref_slice %arg6[%arg0, %mul3A_0, %dma_start3A] : memref<2x10240x128xf32, #tpu.memory_space<hbm>> -> memref<1x640x128xf32, #tpu.memory_space<hbm>>
      %dma_start3A_10 = tpu.memref_squeeze %dma_start3A_9 : memref<1x640x128xf32, #tpu.memory_space<hbm>> -> memref<640x128xf32, #tpu.memory_space<hbm>>
      %dma_start3A_11 = arith.constant 0 : i32
      %dma_start3A_12 = tpu.memref_slice %arg7[%mul3A_0, %dma_start3A_11] : memref<10240x128xf32, #tpu.memory_space<vmem_shared>> -> memref<640x128xf32, #tpu.memory_space<vmem_shared>>
      tpu.enqueue_dma source(%dma_start3A_12 : memref<640x128xf32, #tpu.memory_space<vmem_shared>>) target(%dma_start3A_10 : memref<640x128xf32, #tpu.memory_space<hbm>>) target_semaphore(%run_scoped3A : memref<!tpu.dma_semaphore, #tpu.memory_space<semaphore_mem>>)
      %dma_wait3A = arith.constant 0 : i32
      %dma_wait3A_13 = tpu.memref_slice %arg6[%arg0, %mul3A_0, %dma_wait3A] : memref<2x10240x128xf32, #tpu.memory_space<hbm>> -> memref<1x640x128xf32, #tpu.memory_space<hbm>>
      %dma_wait3A_14 = tpu.memref_squeeze %dma_wait3A_13 : memref<1x640x128xf32, #tpu.memory_space<hbm>> -> memref<640x128xf32, #tpu.memory_space<hbm>>
      %dma_wait3A_15 = arith.constant 0 : i32
      %dma_wait3A_16 = tpu.memref_slice %arg7[%mul3A_0, %dma_wait3A_15] : memref<10240x128xf32, #tpu.memory_space<vmem_shared>> -> memref<640x128xf32, #tpu.memory_space<vmem_shared>>
      tpu.wait_dma2 semaphore(%run_scoped3A : memref<!tpu.dma_semaphore, #tpu.memory_space<semaphore_mem>>) src(%dma_wait3A_16 : memref<640x128xf32, #tpu.memory_space<vmem_shared>>) dst(%dma_wait3A_14 : memref<640x128xf32, #tpu.memory_space<hbm>>)
      tpu.yield
    }) : () -> ()
    return
  }
}

#map = affine_map<(d0, d1) -> (0)>
#map1 = affine_map<(d0, d1) -> (0, 0)>
module attributes {stable_mosaic.version = 14 : i64} {
  func.func @_sc_deg_body(%arg0: i32, %arg1: i32, %arg2: memref<327680xi32, #tpu.memory_space<hbm>>, %arg3: memref<128xi32, #tpu.memory_space<hbm>>, %arg4: memref<10240x128xf32, #tpu.memory_space<hbm>>, %arg5: memref<10240xf32, #tpu.memory_space<hbm>>, %arg6: memref<128xf32, #tpu.memory_space<hbm>>, %arg7: memref<2x10240xf32, #tpu.memory_space<hbm>>, %arg8: memref<128x128xf32, #tpu.memory_space<hbm>>, %arg9: memref<10240xf32, #tpu.memory_space<vmem_shared>>, %arg10: memref<128xi32, #tpu.memory_space<vmem>>, %arg11: memref<128xf32, #tpu.memory_space<vmem>>, %arg12: memref<128xi32, #tpu.memory_space<vmem>>, %arg13: memref<128x128xf32, #tpu.memory_space<vmem>>, %arg14: memref<!tpu.dma_semaphore, #tpu.memory_space<semaphore_mem>>, %arg15: memref<!tpu.dma_semaphore, #tpu.memory_space<semaphore_mem>>, %arg16: memref<!tpu.dma_semaphore, #tpu.memory_space<semaphore_mem>>) attributes {dimension_semantics = [#tpu.dimension_semantics<core_parallel>, #tpu.dimension_semantics<subcore_parallel>], iteration_bounds = array<i64: 2, 16>, scalar_prefetch = 0 : i64, scratch_operands = 8 : i64, tpu.core_type = #tpu.core_type<sc_vector_subcore>, window_params = [{transform_indices = #map}, {transform_indices = #map}, {transform_indices = #map1}, {transform_indices = #map}, {transform_indices = #map}, {transform_indices = #map1}, {transform_indices = #map1}]} {
    %mul3A = arith.constant 2 : i32
    %mul3A_0 = arith.muli %arg1, %mul3A : i32
    %add3A = arith.addi %mul3A_0, %arg0 : i32
    %mul3A_1 = arith.constant 640 : i32
    %mul3A_2 = arith.muli %arg1, %mul3A_1 : i32
    "tpu.region"() ({
      %run_scoped3A = tpu.sem_alloc : memref<!tpu.dma_semaphore, #tpu.memory_space<semaphore_mem>>
      %dma_start3A = tpu.memref_slice %arg9[%mul3A_2] : memref<10240xf32, #tpu.memory_space<vmem_shared>> -> memref<640xf32, #tpu.memory_space<vmem_shared>>
      %dma_start3A_11 = tpu.memref_slice %arg5[%mul3A_2] : memref<10240xf32, #tpu.memory_space<hbm>> -> memref<640xf32, #tpu.memory_space<hbm>>
      tpu.enqueue_dma source(%dma_start3A_11 : memref<640xf32, #tpu.memory_space<hbm>>) target(%dma_start3A : memref<640xf32, #tpu.memory_space<vmem_shared>>) target_semaphore(%run_scoped3A : memref<!tpu.dma_semaphore, #tpu.memory_space<semaphore_mem>>)
      %dma_wait3A = tpu.memref_slice %arg9[%mul3A_2] : memref<10240xf32, #tpu.memory_space<vmem_shared>> -> memref<640xf32, #tpu.memory_space<vmem_shared>>
      %dma_wait3A_12 = tpu.memref_slice %arg5[%mul3A_2] : memref<10240xf32, #tpu.memory_space<hbm>> -> memref<640xf32, #tpu.memory_space<hbm>>
      tpu.wait_dma2 semaphore(%run_scoped3A : memref<!tpu.dma_semaphore, #tpu.memory_space<semaphore_mem>>) src(%dma_wait3A_12 : memref<640xf32, #tpu.memory_space<hbm>>) dst(%dma_wait3A : memref<640xf32, #tpu.memory_space<vmem_shared>>)
      tpu.yield
    }) : () -> ()
    "tpu.region"() ({
      %run_scoped3A = tpu.sem_alloc : memref<!tpu.dma_semaphore, #tpu.memory_space<semaphore_mem>>
      tpu.enqueue_dma source(%arg6 : memref<128xf32, #tpu.memory_space<hbm>>) target(%arg11 : memref<128xf32, #tpu.memory_space<vmem>>) target_semaphore(%run_scoped3A : memref<!tpu.dma_semaphore, #tpu.memory_space<semaphore_mem>>)
      tpu.wait_dma2 semaphore(%run_scoped3A : memref<!tpu.dma_semaphore, #tpu.memory_space<semaphore_mem>>) src(%arg6 : memref<128xf32, #tpu.memory_space<hbm>>) dst(%arg11 : memref<128xf32, #tpu.memory_space<vmem>>)
      tpu.yield
    }) : () -> ()
    %eq3A = arith.constant 0 : i32
    %eq3A_3 = arith.cmpi eq, %add3A, %eq3A : i32
    %convert_element_type3A = arith.extui %eq3A_3 : i1 to i32
    %cond3A = arith.constant 0 : i32
    %cond3A_4 = arith.cmpi ne, %convert_element_type3A, %cond3A : i32
    scf.if %cond3A_4 {
      "tpu.region"() ({
        %run_scoped3A = tpu.sem_alloc : memref<!tpu.dma_semaphore, #tpu.memory_space<semaphore_mem>>
        tpu.enqueue_dma source(%arg3 : memref<128xi32, #tpu.memory_space<hbm>>) target(%arg12 : memref<128xi32, #tpu.memory_space<vmem>>) target_semaphore(%run_scoped3A : memref<!tpu.dma_semaphore, #tpu.memory_space<semaphore_mem>>)
        tpu.wait_dma2 semaphore(%run_scoped3A : memref<!tpu.dma_semaphore, #tpu.memory_space<semaphore_mem>>) src(%arg3 : memref<128xi32, #tpu.memory_space<hbm>>) dst(%arg12 : memref<128xi32, #tpu.memory_space<vmem>>)
        tpu.yield
      }) : () -> ()
      %dma_start3A = arith.constant 0 : i32
      %dma_start3A_11 = arith.constant 0 : i32
      %dma_start3A_12 = tpu.memref_slice %arg4[%dma_start3A, %dma_start3A_11] : memref<10240x128xf32, #tpu.memory_space<hbm>> -> memref<10240x128xf32, #tpu.memory_space<hbm>>
      tpu.enqueue_indirect_dma source(%dma_start3A_12 : memref<10240x128xf32, #tpu.memory_space<hbm>>) target(%arg13 : memref<128x128xf32, #tpu.memory_space<vmem>>) offsets(%arg12 : memref<128xi32, #tpu.memory_space<vmem>>) semaphore(%arg14 : memref<!tpu.dma_semaphore, #tpu.memory_space<semaphore_mem>>)
      %dma_wait3A = arith.constant 0 : i32
      %dma_wait3A_13 = arith.constant 0 : i32
      %dma_wait3A_14 = tpu.memref_slice %arg4[%dma_wait3A, %dma_wait3A_13] : memref<10240x128xf32, #tpu.memory_space<hbm>> -> memref<10240x128xf32, #tpu.memory_space<hbm>>
      tpu.wait_indirect_dma semaphore(%arg14 : memref<!tpu.dma_semaphore, #tpu.memory_space<semaphore_mem>>) src(%dma_wait3A_14 : memref<10240x128xf32, #tpu.memory_space<hbm>>) dst(%arg13 : memref<128x128xf32, #tpu.memory_space<vmem>>)
      "tpu.region"() ({
        %run_scoped3A = tpu.sem_alloc : memref<!tpu.dma_semaphore, #tpu.memory_space<semaphore_mem>>
        tpu.enqueue_dma source(%arg13 : memref<128x128xf32, #tpu.memory_space<vmem>>) target(%arg8 : memref<128x128xf32, #tpu.memory_space<hbm>>) target_semaphore(%run_scoped3A : memref<!tpu.dma_semaphore, #tpu.memory_space<semaphore_mem>>)
        tpu.wait_dma2 semaphore(%run_scoped3A : memref<!tpu.dma_semaphore, #tpu.memory_space<semaphore_mem>>) src(%arg13 : memref<128x128xf32, #tpu.memory_space<vmem>>) dst(%arg8 : memref<128x128xf32, #tpu.memory_space<hbm>>)
        tpu.yield
      }) : () -> ()
    } else {
    }
    %barrier3A = arith.constant 0 : index
    tpu.barrier barrier_id(%barrier3A)
    %scan3A = arith.constant 0 : i32
    %scan3A_5 = arith.constant 0 : i32
    %scan3A_6 = arith.constant 80 : i32
    %scan3A_7 = arith.addi %scan3A_5, %scan3A_6 : i32
    %scan3A_8 = arith.constant 1 : i32
    scf.for %scan3A_11 = %scan3A_5 to %scan3A_7 step %scan3A_8  : i32 {
      %mul3A_12 = arith.constant 80 : i32
      %mul3A_13 = arith.muli %add3A, %mul3A_12 : i32
      %add3A_14 = arith.addi %mul3A_13, %scan3A_11 : i32
      %mul3A_15 = arith.constant 128 : i32
      %mul3A_16 = arith.muli %add3A_14, %mul3A_15 : i32
      "tpu.region"() ({
        %run_scoped3A = tpu.sem_alloc : memref<!tpu.dma_semaphore, #tpu.memory_space<semaphore_mem>>
        %dma_start3A = tpu.memref_slice %arg2[%mul3A_16] : memref<327680xi32, #tpu.memory_space<hbm>> -> memref<128xi32, #tpu.memory_space<hbm>>
        %dma_start3A_17 = tpu.memref_slice %arg2[%mul3A_16] : memref<327680xi32, #tpu.memory_space<hbm>> -> memref<128xi32, #tpu.memory_space<hbm>>
        tpu.enqueue_dma source(%dma_start3A_17 : memref<128xi32, #tpu.memory_space<hbm>>) target(%arg10 : memref<128xi32, #tpu.memory_space<vmem>>) target_semaphore(%run_scoped3A : memref<!tpu.dma_semaphore, #tpu.memory_space<semaphore_mem>>)
        %dma_wait3A = tpu.memref_slice %arg2[%mul3A_16] : memref<327680xi32, #tpu.memory_space<hbm>> -> memref<128xi32, #tpu.memory_space<hbm>>
        %dma_wait3A_18 = tpu.memref_slice %arg2[%mul3A_16] : memref<327680xi32, #tpu.memory_space<hbm>> -> memref<128xi32, #tpu.memory_space<hbm>>
        tpu.wait_dma2 semaphore(%run_scoped3A : memref<!tpu.dma_semaphore, #tpu.memory_space<semaphore_mem>>) src(%dma_wait3A_18 : memref<128xi32, #tpu.memory_space<hbm>>) dst(%arg10 : memref<128xi32, #tpu.memory_space<vmem>>)
        tpu.yield
      }) : () -> ()
      "tpu.region"() ({
        %run_scoped3A = tpu.sem_alloc : memref<!tpu.dma_semaphore, #tpu.memory_space<semaphore_mem>>
        %dma_start3A = arith.constant 0 : i32
        %dma_start3A_17 = tpu.memref_slice %arg9[%dma_start3A] : memref<10240xf32, #tpu.memory_space<vmem_shared>> -> memref<10240xf32, #tpu.memory_space<vmem_shared>>
        tpu.enqueue_indirect_dma source(%arg11 : memref<128xf32, #tpu.memory_space<vmem>>) target(%dma_start3A_17 : memref<10240xf32, #tpu.memory_space<vmem_shared>>) offsets(%arg10 : memref<128xi32, #tpu.memory_space<vmem>>) semaphore(%run_scoped3A : memref<!tpu.dma_semaphore, #tpu.memory_space<semaphore_mem>>) {add = true}
        %dma_wait3A = arith.constant 0 : i32
        %dma_wait3A_18 = tpu.memref_slice %arg9[%dma_wait3A] : memref<10240xf32, #tpu.memory_space<vmem_shared>> -> memref<10240xf32, #tpu.memory_space<vmem_shared>>
        tpu.wait_indirect_dma semaphore(%run_scoped3A : memref<!tpu.dma_semaphore, #tpu.memory_space<semaphore_mem>>) src(%arg11 : memref<128xf32, #tpu.memory_space<vmem>>) dst(%dma_wait3A_18 : memref<10240xf32, #tpu.memory_space<vmem_shared>>)
        tpu.yield
      }) : () -> ()
    }
    %scan3A_9 = arith.constant 80 : i32
    %barrier3A_10 = arith.constant 0 : index
    tpu.barrier barrier_id(%barrier3A_10)
    "tpu.region"() ({
      %run_scoped3A = tpu.sem_alloc : memref<!tpu.dma_semaphore, #tpu.memory_space<semaphore_mem>>
      %dma_start3A = tpu.memref_slice %arg7[%arg0, %mul3A_2] : memref<2x10240xf32, #tpu.memory_space<hbm>> -> memref<1x640xf32, #tpu.memory_space<hbm>>
      %dma_start3A_11 = tpu.memref_squeeze %dma_start3A : memref<1x640xf32, #tpu.memory_space<hbm>> -> memref<640xf32, #tpu.memory_space<hbm>>
      %dma_start3A_12 = tpu.memref_slice %arg9[%mul3A_2] : memref<10240xf32, #tpu.memory_space<vmem_shared>> -> memref<640xf32, #tpu.memory_space<vmem_shared>>
      tpu.enqueue_dma source(%dma_start3A_12 : memref<640xf32, #tpu.memory_space<vmem_shared>>) target(%dma_start3A_11 : memref<640xf32, #tpu.memory_space<hbm>>) target_semaphore(%run_scoped3A : memref<!tpu.dma_semaphore, #tpu.memory_space<semaphore_mem>>)
      %dma_wait3A = tpu.memref_slice %arg7[%arg0, %mul3A_2] : memref<2x10240xf32, #tpu.memory_space<hbm>> -> memref<1x640xf32, #tpu.memory_space<hbm>>
      %dma_wait3A_13 = tpu.memref_squeeze %dma_wait3A : memref<1x640xf32, #tpu.memory_space<hbm>> -> memref<640xf32, #tpu.memory_space<hbm>>
      %dma_wait3A_14 = tpu.memref_slice %arg9[%mul3A_2] : memref<10240xf32, #tpu.memory_space<vmem_shared>> -> memref<640xf32, #tpu.memory_space<vmem_shared>>
      tpu.wait_dma2 semaphore(%run_scoped3A : memref<!tpu.dma_semaphore, #tpu.memory_space<semaphore_mem>>) src(%dma_wait3A_14 : memref<640xf32, #tpu.memory_space<vmem_shared>>) dst(%dma_wait3A_13 : memref<640xf32, #tpu.memory_space<hbm>>)
      tpu.yield
    }) : () -> ()
    return
  }
}

module attributes {stable_mosaic.version = 14 : i64} {
  func.func @_tc_prep_body(%arg0: i32, %arg1: memref<2x256xf32, #tpu.memory_space<vmem>>, %arg2: memref<256x128xf32, #tpu.memory_space<vmem>>, %arg3: memref<256x128xf32, #tpu.memory_space<vmem>>, %arg4: memref<256x128xf32, #tpu.memory_space<vmem>>) attributes {dimension_semantics = [#tpu.dimension_semantics<arbitrary>], iteration_bounds = array<i64: 40>, scalar_prefetch = 0 : i64, scratch_operands = 0 : i64, tpu.core_type = #tpu.core_type<tc>, window_params = [{transform_indices = @transform_0, window_bounds = array<i64: 2, 256>}, {transform_indices = @transform_1, window_bounds = array<i64: 256, 128>}, {transform_indices = @transform_2, window_bounds = array<i64: 256, 128>}, {transform_indices = @transform_3, window_bounds = array<i64: 256, 128>}]} {
    %get3A = arith.constant 0 : index
    %get3A_0 = arith.constant 0 : index
    %get3A_1 = vector.load %arg1[%get3A, %get3A_0] : memref<2x256xf32, #tpu.memory_space<vmem>>, vector<2x256xf32>
    %reduce_sum3A = arith.constant dense<0.000000e+00> : vector<256xf32>
    %reduce_sum3A_2 = vector.multi_reduction <add>, %get3A_1, %reduce_sum3A [0] : vector<2x256xf32> to vector<256xf32>
    %add3A = arith.constant 1.000000e+00 : f32
    %add3A_3 = vector.broadcast %add3A : f32 to vector<256xf32>
    %add3A_4 = arith.addf %reduce_sum3A_2, %add3A_3 : vector<256xf32>
    %rsqrt3A = math.rsqrt %add3A_4 : vector<256xf32>
    %broadcast_in_dim3A = vector.shape_cast %rsqrt3A : vector<256xf32> to vector<256x1xf32>
    %broadcast_in_dim3A_5 = vector.shape_cast %broadcast_in_dim3A : vector<256x1xf32> to vector<256x1xf32>
    %broadcast_in_dim3A_6 = vector.broadcast %broadcast_in_dim3A_5 : vector<256x1xf32> to vector<256x128xf32>
    %swap3A = arith.constant 0 : index
    %swap3A_7 = arith.constant 0 : index
    %swap3A_8 = vector.load %arg4[%swap3A, %swap3A_7] : memref<256x128xf32, #tpu.memory_space<vmem>>, vector<256x128xf32>
    tpu.vector_store %arg4[%swap3A, %swap3A_7], %broadcast_in_dim3A_6 {strides = array<i32>} : memref<256x128xf32, #tpu.memory_space<vmem>>, vector<256x128xf32>,
    %get3A_9 = arith.constant 0 : index
    %get3A_10 = arith.constant 0 : index
    %get3A_11 = vector.load %arg2[%get3A_9, %get3A_10] : memref<256x128xf32, #tpu.memory_space<vmem>>, vector<256x128xf32>
    %mul3A = arith.mulf %broadcast_in_dim3A_6, %get3A_11 : vector<256x128xf32>
    %swap3A_12 = arith.constant 0 : index
    %swap3A_13 = arith.constant 0 : index
    %swap3A_14 = vector.load %arg3[%swap3A_12, %swap3A_13] : memref<256x128xf32, #tpu.memory_space<vmem>>, vector<256x128xf32>
    tpu.vector_store %arg3[%swap3A_12, %swap3A_13], %mul3A {strides = array<i32>} : memref<256x128xf32, #tpu.memory_space<vmem>>, vector<256x128xf32>,
    return
  }
  func.func @transform_0(%arg0: i32) -> (i32, i32) {
    %c0_i32 = arith.constant 0 : i32
    %c0_i32_0 = arith.constant 0 : i32
    return %c0_i32, %arg0 : i32, i32
  }
  func.func @transform_1(%arg0: i32) -> (i32, i32) {
    %c0_i32 = arith.constant 0 : i32
    %c0_i32_0 = arith.constant 0 : i32
    return %arg0, %c0_i32 : i32, i32
  }
  func.func @transform_2(%arg0: i32) -> (i32, i32) {
    %c0_i32 = arith.constant 0 : i32
    %c0_i32_0 = arith.constant 0 : i32
    return %arg0, %c0_i32 : i32, i32
  }
  func.func @transform_3(%arg0: i32) -> (i32, i32) {
    %c0_i32 = arith.constant 0 : i32
    %c0_i32_0 = arith.constant 0 : i32
    return %arg0, %c0_i32 : i32, i32
  }
}

module attributes {stable_mosaic.version = 14 : i64} {
  func.func @_tc_r_body(%arg0: memref<128x128xf32, #tpu.memory_space<vmem>>, %arg1: memref<128x128xf32, #tpu.memory_space<vmem>>, %arg2: memref<128x128xf32, #tpu.memory_space<vmem>>) attributes {dimension_semantics = [], scalar_prefetch = 0 : i64, scratch_operands = 0 : i64, tpu.core_type = #tpu.core_type<tc>} {
    %get3A = arith.constant 0 : index
    %get3A_0 = arith.constant 0 : index
    %get3A_1 = vector.load %arg0[%get3A, %get3A_0] : memref<128x128xf32, #tpu.memory_space<vmem>>, vector<128x128xf32>
    %max3A = arith.constant 0.000000e+00 : f32
    %max3A_2 = vector.broadcast %max3A : f32 to vector<128x128xf32>
    %max3A_3 = arith.maximumf %get3A_1, %max3A_2 : vector<128x128xf32>
    %get3A_4 = arith.constant 0 : index
    %get3A_5 = arith.constant 0 : index
    %get3A_6 = vector.load %arg1[%get3A_4, %get3A_5] : memref<128x128xf32, #tpu.memory_space<vmem>>, vector<128x128xf32>
    %dot_general3A = arith.constant dense<0.000000e+00> : vector<128x128xf32>
    %dot_general3A_7 = tpu.matmul %max3A_3, %get3A_6, %dot_general3A {dimension_numbers = #tpu.dot_dimension_numbers<[1], [0], [0], [1], [0, 0, 1, 1], [], []>, transpose_lhs_hint = false} : vector<128x128xf32>, vector<128x128xf32>, vector<128x128xf32> -> vector<128x128xf32>
    %swap3A = arith.constant 0 : index
    %swap3A_8 = arith.constant 0 : index
    %swap3A_9 = vector.load %arg2[%swap3A, %swap3A_8] : memref<128x128xf32, #tpu.memory_space<vmem>>, vector<128x128xf32>
    tpu.vector_store %arg2[%swap3A, %swap3A_8], %dot_general3A_7 {strides = array<i32>} : memref<128x128xf32, #tpu.memory_space<vmem>>, vector<128x128xf32>,
    return
  }
}

module attributes {stable_mosaic.version = 14 : i64} {
  func.func @_tc_mm1_body(%arg0: i32, %arg1: memref<256x128xf32, #tpu.memory_space<vmem>>, %arg2: memref<256x128xf32, #tpu.memory_space<vmem>>, %arg3: memref<256x128xf32, #tpu.memory_space<vmem>>, %arg4: memref<256x128xf32, #tpu.memory_space<vmem>>, %arg5: memref<128x256xf32, #tpu.memory_space<vmem>>, %arg6: memref<1x256xf32, #tpu.memory_space<vmem>>, %arg7: memref<256x256xf32, #tpu.memory_space<vmem>>) attributes {dimension_semantics = [#tpu.dimension_semantics<arbitrary>], iteration_bounds = array<i64: 40>, scalar_prefetch = 0 : i64, scratch_operands = 0 : i64, tpu.core_type = #tpu.core_type<tc>, window_params = [{transform_indices = @transform_0, window_bounds = array<i64: 256, 128>}, {transform_indices = @transform_1, window_bounds = array<i64: 256, 128>}, {transform_indices = @transform_2, window_bounds = array<i64: 256, 128>}, {transform_indices = @transform_3, window_bounds = array<i64: 256, 128>}, {pipeline_mode = #tpu.pipeline_mode<synchronous>, transform_indices = @transform_4, window_bounds = array<i64: 128, 256>}, {pipeline_mode = #tpu.pipeline_mode<synchronous>, transform_indices = @transform_5, window_bounds = array<i64: 1, 256>}, {transform_indices = @transform_6, window_bounds = array<i64: 256, 256>}]} {
    %get3A = arith.constant 0 : index
    %get3A_0 = arith.constant 0 : index
    %get3A_1 = vector.load %arg4[%get3A, %get3A_0] : memref<256x128xf32, #tpu.memory_space<vmem>>, vector<256x128xf32>
    %get3A_2 = arith.constant 0 : index
    %get3A_3 = arith.constant 0 : index
    %get3A_4 = vector.load %arg1[%get3A_2, %get3A_3] : memref<256x128xf32, #tpu.memory_space<vmem>>, vector<256x128xf32>
    %get3A_5 = arith.constant 0 : index
    %get3A_6 = arith.constant 0 : index
    %get3A_7 = vector.load %arg2[%get3A_5, %get3A_6] : memref<256x128xf32, #tpu.memory_space<vmem>>, vector<256x128xf32>
    %add3A = arith.addf %get3A_4, %get3A_7 : vector<256x128xf32>
    %get3A_8 = arith.constant 0 : index
    %get3A_9 = arith.constant 0 : index
    %get3A_10 = vector.load %arg3[%get3A_8, %get3A_9] : memref<256x128xf32, #tpu.memory_space<vmem>>, vector<256x128xf32>
    %add3A_11 = arith.addf %add3A, %get3A_10 : vector<256x128xf32>
    %mul3A = arith.mulf %get3A_1, %add3A_11 : vector<256x128xf32>
    %get3A_12 = arith.constant 0 : index
    %get3A_13 = arith.constant 0 : index
    %get3A_14 = vector.load %arg5[%get3A_12, %get3A_13] : memref<128x256xf32, #tpu.memory_space<vmem>>, vector<128x256xf32>
    %dot_general3A = arith.constant dense<0.000000e+00> : vector<256x256xf32>
    %dot_general3A_15 = tpu.matmul %mul3A, %get3A_14, %dot_general3A {dimension_numbers = #tpu.dot_dimension_numbers<[1], [0], [0], [1], [0, 0, 1, 1], [], []>, transpose_lhs_hint = false} : vector<256x128xf32>, vector<128x256xf32>, vector<256x256xf32> -> vector<256x256xf32>
    %get3A_16 = arith.constant 0 : index
    %get3A_17 = arith.constant 0 : index
    %get3A_18 = vector.load %arg6[%get3A_16, %get3A_17] : memref<1x256xf32, #tpu.memory_space<vmem>>, vector<1x256xf32>
    %add3A_19 = vector.broadcast %get3A_18 : vector<1x256xf32> to vector<256x256xf32>
    %add3A_20 = arith.addf %dot_general3A_15, %add3A_19 : vector<256x256xf32>
    %swap3A = arith.constant 0 : index
    %swap3A_21 = arith.constant 0 : index
    %swap3A_22 = vector.load %arg7[%swap3A, %swap3A_21] : memref<256x256xf32, #tpu.memory_space<vmem>>, vector<256x256xf32>
    tpu.vector_store %arg7[%swap3A, %swap3A_21], %add3A_20 {strides = array<i32>} : memref<256x256xf32, #tpu.memory_space<vmem>>, vector<256x256xf32>,
    return
  }
  func.func @transform_0(%arg0: i32) -> (i32, i32) {
    %c0_i32 = arith.constant 0 : i32
    %c0_i32_0 = arith.constant 0 : i32
    return %arg0, %c0_i32 : i32, i32
  }
  func.func @transform_1(%arg0: i32) -> (i32, i32) {
    %c0_i32 = arith.constant 0 : i32
    %c0_i32_0 = arith.constant 0 : i32
    return %arg0, %c0_i32 : i32, i32
  }
  func.func @transform_2(%arg0: i32) -> (i32, i32) {
    %c0_i32 = arith.constant 0 : i32
    %c0_i32_0 = arith.constant 0 : i32
    return %arg0, %c0_i32 : i32, i32
  }
  func.func @transform_3(%arg0: i32) -> (i32, i32) {
    %c0_i32 = arith.constant 0 : i32
    %c0_i32_0 = arith.constant 0 : i32
    return %arg0, %c0_i32 : i32, i32
  }
  func.func @transform_4(%arg0: i32) -> (i32, i32) {
    %c0_i32 = arith.constant 0 : i32
    %c0_i32_0 = arith.constant 0 : i32
    %c0_i32_1 = arith.constant 0 : i32
    return %c0_i32, %c0_i32_0 : i32, i32
  }
  func.func @transform_5(%arg0: i32) -> (i32, i32) {
    %c0_i32 = arith.constant 0 : i32
    %c0_i32_0 = arith.constant 0 : i32
    %c0_i32_1 = arith.constant 0 : i32
    return %c0_i32, %c0_i32_0 : i32, i32
  }
  func.func @transform_6(%arg0: i32) -> (i32, i32) {
    %c0_i32 = arith.constant 0 : i32
    %c0_i32_0 = arith.constant 0 : i32
    return %arg0, %c0_i32 : i32, i32
  }
}

module attributes {stable_mosaic.version = 14 : i64} {
  func.func @_tc_mm2_body(%arg0: i32, %arg1: memref<256x256xf32, #tpu.memory_space<vmem>>, %arg2: memref<256x128xf32, #tpu.memory_space<vmem>>, %arg3: memref<128x128xf32, #tpu.memory_space<vmem>>, %arg4: memref<1x1x256xi32, #tpu.memory_space<vmem>>, %arg5: memref<256x128xf32, #tpu.memory_space<vmem>>, %arg6: memref<256x128xf32, #tpu.memory_space<vmem>>) attributes {dimension_semantics = [#tpu.dimension_semantics<arbitrary>], iteration_bounds = array<i64: 40>, scalar_prefetch = 0 : i64, scratch_operands = 0 : i64, tpu.core_type = #tpu.core_type<tc>, window_params = [{transform_indices = @transform_0, window_bounds = array<i64: 256, 256>}, {pipeline_mode = #tpu.pipeline_mode<synchronous>, transform_indices = @transform_1, window_bounds = array<i64: 256, 128>}, {pipeline_mode = #tpu.pipeline_mode<synchronous>, transform_indices = @transform_2, window_bounds = array<i64: 128, 128>}, {transform_indices = @transform_3, window_bounds = array<i64: 1, 1, 256>}, {transform_indices = @transform_4, window_bounds = array<i64: 256, 128>}, {transform_indices = @transform_5, window_bounds = array<i64: 256, 128>}]} {
    %get3A = arith.constant 0 : index
    %get3A_0 = arith.constant 0 : index
    %get3A_1 = vector.load %arg1[%get3A, %get3A_0] : memref<256x256xf32, #tpu.memory_space<vmem>>, vector<256x256xf32>
    %max3A = arith.constant 0.000000e+00 : f32
    %max3A_2 = vector.broadcast %max3A : f32 to vector<256x256xf32>
    %max3A_3 = arith.maximumf %get3A_1, %max3A_2 : vector<256x256xf32>
    %get3A_4 = arith.constant 0 : index
    %get3A_5 = arith.constant 0 : index
    %get3A_6 = vector.load %arg2[%get3A_4, %get3A_5] : memref<256x128xf32, #tpu.memory_space<vmem>>, vector<256x128xf32>
    %dot_general3A = arith.constant dense<0.000000e+00> : vector<256x128xf32>
    %dot_general3A_7 = tpu.matmul %max3A_3, %get3A_6, %dot_general3A {dimension_numbers = #tpu.dot_dimension_numbers<[1], [0], [0], [1], [0, 0, 1, 1], [], []>, transpose_lhs_hint = false} : vector<256x256xf32>, vector<256x128xf32>, vector<256x128xf32> -> vector<256x128xf32>
    %get3A_8 = arith.constant 0 : index
    %get3A_9 = arith.constant 0 : index
    %get3A_10 = arith.constant 0 : index
    %get3A_11 = vector.load %arg4[%get3A_8, %get3A_9, %get3A_10] : memref<1x1x256xi32, #tpu.memory_space<vmem>>, vector<1x1x256xi32>
    %squeeze3A = vector.shape_cast %get3A_11 : vector<1x1x256xi32> to vector<256xi32>
    %iota3A = tpu.iota {dimensions = array<i32: 1>} : vector<256x128xi32>
    %broadcast_in_dim3A = vector.shape_cast %squeeze3A : vector<256xi32> to vector<256x1xi32>
    %eq3A = vector.broadcast %broadcast_in_dim3A : vector<256x1xi32> to vector<256x128xi32>
    %eq3A_12 = arith.cmpi eq, %eq3A, %iota3A : vector<256x128xi32>
    %convert_element_type3A = arith.extui %eq3A_12 : vector<256x128xi1> to vector<256x128xi32>
    %convert_element_type3A_13 = arith.sitofp %convert_element_type3A : vector<256x128xi32> to vector<256x128xf32>
    %get3A_14 = arith.constant 0 : index
    %get3A_15 = arith.constant 0 : index
    %get3A_16 = vector.load %arg3[%get3A_14, %get3A_15] : memref<128x128xf32, #tpu.memory_space<vmem>>, vector<128x128xf32>
    %dot_general3A_17 = arith.constant dense<0.000000e+00> : vector<256x128xf32>
    %dot_general3A_18 = tpu.matmul %convert_element_type3A_13, %get3A_16, %dot_general3A_17 {dimension_numbers = #tpu.dot_dimension_numbers<[1], [0], [0], [1], [0, 0, 1, 1], [], []>, transpose_lhs_hint = false} : vector<256x128xf32>, vector<128x128xf32>, vector<256x128xf32> -> vector<256x128xf32>
    %mul3A = arith.constant 256 : i32
    %mul3A_19 = arith.muli %arg0, %mul3A : i32
    %iota3A_20 = tpu.iota {dimensions = array<i32: 0>} : vector<256x128xi32>
    %add3A = vector.broadcast %mul3A_19 : i32 to vector<256x128xi32>
    %add3A_21 = arith.addi %add3A, %iota3A_20 : vector<256x128xi32>
    %get3A_22 = arith.constant 0 : index
    %get3A_23 = arith.constant 0 : index
    %get3A_24 = vector.load %arg5[%get3A_22, %get3A_23] : memref<256x128xf32, #tpu.memory_space<vmem>>, vector<256x128xf32>
    %add3A_25 = arith.addf %dot_general3A_7, %dot_general3A_18 : vector<256x128xf32>
    %mul3A_26 = arith.mulf %get3A_24, %add3A_25 : vector<256x128xf32>
    %lt3A = arith.constant 10000 : i32
    %lt3A_27 = vector.broadcast %lt3A : i32 to vector<256x128xi32>
    %lt3A_28 = arith.cmpi slt, %add3A_21, %lt3A_27 : vector<256x128xi32>
    %jit3A = arith.constant 0.000000e+00 : f32
    %broadcast_in_dim3A_29 = vector.broadcast %jit3A : f32 to vector<256x128xf32>
    %select_n3A = arith.select %lt3A_28, %mul3A_26, %broadcast_in_dim3A_29 : vector<256x128xi1>, vector<256x128xf32>
    %swap3A = arith.constant 0 : index
    %swap3A_30 = arith.constant 0 : index
    %swap3A_31 = vector.load %arg6[%swap3A, %swap3A_30] : memref<256x128xf32, #tpu.memory_space<vmem>>, vector<256x128xf32>
    tpu.vector_store %arg6[%swap3A, %swap3A_30], %select_n3A {strides = array<i32>} : memref<256x128xf32, #tpu.memory_space<vmem>>, vector<256x128xf32>,
    return
  }
  func.func @transform_0(%arg0: i32) -> (i32, i32) {
    %c0_i32 = arith.constant 0 : i32
    %c0_i32_0 = arith.constant 0 : i32
    return %arg0, %c0_i32 : i32, i32
  }
  func.func @transform_1(%arg0: i32) -> (i32, i32) {
    %c0_i32 = arith.constant 0 : i32
    %c0_i32_0 = arith.constant 0 : i32
    %c0_i32_1 = arith.constant 0 : i32
    return %c0_i32, %c0_i32_0 : i32, i32
  }
  func.func @transform_2(%arg0: i32) -> (i32, i32) {
    %c0_i32 = arith.constant 0 : i32
    %c0_i32_0 = arith.constant 0 : i32
    %c0_i32_1 = arith.constant 0 : i32
    return %c0_i32, %c0_i32_0 : i32, i32
  }
  func.func @transform_3(%arg0: i32) -> (i32, i32, i32) {
    %c0_i32 = arith.constant 0 : i32
    %c0_i32_0 = arith.constant 0 : i32
    %c0_i32_1 = arith.constant 0 : i32
    return %arg0, %c0_i32, %c0_i32_0 : i32, i32, i32
  }
  func.func @transform_4(%arg0: i32) -> (i32, i32) {
    %c0_i32 = arith.constant 0 : i32
    %c0_i32_0 = arith.constant 0 : i32
    return %arg0, %c0_i32 : i32, i32
  }
  func.func @transform_5(%arg0: i32) -> (i32, i32) {
    %c0_i32 = arith.constant 0 : i32
    %c0_i32_0 = arith.constant 0 : i32
    return %arg0, %c0_i32 : i32, i32
  }
}

module attributes {stable_mosaic.version = 14 : i64} {
  func.func @_tc_final_body(%arg0: i32, %arg1: memref<256x128xf32, #tpu.memory_space<vmem>>, %arg2: memref<256x128xf32, #tpu.memory_space<vmem>>, %arg3: memref<256x128xf32, #tpu.memory_space<vmem>>, %arg4: memref<256x128xf32, #tpu.memory_space<vmem>>, %arg5: memref<1x128xf32, #tpu.memory_space<vmem>>, %arg6: memref<1x1x256xi32, #tpu.memory_space<vmem>>, %arg7: memref<256x256xf32, #tpu.memory_space<vmem>>, %arg8: memref<1x1x128xi32, #tpu.memory_space<vmem>>, %arg9: memref<128x384xf32, #tpu.memory_space<vmem>>, %arg10: memref<128x128xf32, #tpu.memory_space<vmem>>, %arg11: memref<128x128xf32, #tpu.memory_space<vmem>>, %arg12: memref<128x256xf32, #tpu.memory_space<vmem>>) attributes {dimension_semantics = [#tpu.dimension_semantics<arbitrary>], iteration_bounds = array<i64: 40>, scalar_prefetch = 0 : i64, scratch_operands = 3 : i64, tpu.core_type = #tpu.core_type<tc>, window_params = [{transform_indices = @transform_0, window_bounds = array<i64: 256, 128>}, {transform_indices = @transform_1, window_bounds = array<i64: 256, 128>}, {transform_indices = @transform_2, window_bounds = array<i64: 256, 128>}, {transform_indices = @transform_3, window_bounds = array<i64: 256, 128>}, {pipeline_mode = #tpu.pipeline_mode<synchronous>, transform_indices = @transform_4, window_bounds = array<i64: 1, 128>}, {transform_indices = @transform_5, window_bounds = array<i64: 1, 1, 256>}, {transform_indices = @transform_6, window_bounds = array<i64: 256, 256>}, {pipeline_mode = #tpu.pipeline_mode<synchronous>, transform_indices = @transform_7, window_bounds = array<i64: 1, 1, 128>}, {pipeline_mode = #tpu.pipeline_mode<synchronous>, transform_indices = @transform_8, window_bounds = array<i64: 128, 384>}]} {
    %get3A = arith.constant 0 : index
    %get3A_0 = arith.constant 0 : index
    %get3A_1 = vector.load %arg4[%get3A, %get3A_0] : memref<256x128xf32, #tpu.memory_space<vmem>>, vector<256x128xf32>
    %get3A_2 = arith.constant 0 : index
    %get3A_3 = arith.constant 0 : index
    %get3A_4 = vector.load %arg1[%get3A_2, %get3A_3] : memref<256x128xf32, #tpu.memory_space<vmem>>, vector<256x128xf32>
    %get3A_5 = arith.constant 0 : index
    %get3A_6 = arith.constant 0 : index
    %get3A_7 = vector.load %arg2[%get3A_5, %get3A_6] : memref<256x128xf32, #tpu.memory_space<vmem>>, vector<256x128xf32>
    %add3A = arith.addf %get3A_4, %get3A_7 : vector<256x128xf32>
    %get3A_8 = arith.constant 0 : index
    %get3A_9 = arith.constant 0 : index
    %get3A_10 = vector.load %arg3[%get3A_8, %get3A_9] : memref<256x128xf32, #tpu.memory_space<vmem>>, vector<256x128xf32>
    %add3A_11 = arith.addf %add3A, %get3A_10 : vector<256x128xf32>
    %mul3A = arith.mulf %get3A_1, %add3A_11 : vector<256x128xf32>
    %get3A_12 = arith.constant 0 : index
    %get3A_13 = arith.constant 0 : index
    %get3A_14 = vector.load %arg5[%get3A_12, %get3A_13] : memref<1x128xf32, #tpu.memory_space<vmem>>, vector<1x128xf32>
    %add3A_15 = vector.broadcast %get3A_14 : vector<1x128xf32> to vector<256x128xf32>
    %add3A_16 = arith.addf %mul3A, %add3A_15 : vector<256x128xf32>
    %max3A = arith.constant 0.000000e+00 : f32
    %max3A_17 = vector.broadcast %max3A : f32 to vector<256x128xf32>
    %max3A_18 = arith.maximumf %add3A_16, %max3A_17 : vector<256x128xf32>
    %get3A_19 = arith.constant 0 : index
    %get3A_20 = arith.constant 0 : index
    %get3A_21 = arith.constant 0 : index
    %get3A_22 = vector.load %arg6[%get3A_19, %get3A_20, %get3A_21] : memref<1x1x256xi32, #tpu.memory_space<vmem>>, vector<1x1x256xi32>
    %squeeze3A = vector.shape_cast %get3A_22 : vector<1x1x256xi32> to vector<256xi32>
    %iota3A = tpu.iota {dimensions = array<i32: 1>} : vector<256x128xi32>
    %broadcast_in_dim3A = vector.shape_cast %squeeze3A : vector<256xi32> to vector<256x1xi32>
    %eq3A = vector.broadcast %broadcast_in_dim3A : vector<256x1xi32> to vector<256x128xi32>
    %eq3A_23 = arith.cmpi eq, %eq3A, %iota3A : vector<256x128xi32>
    %convert_element_type3A = arith.extui %eq3A_23 : vector<256x128xi1> to vector<256x128xi32>
    %convert_element_type3A_24 = arith.sitofp %convert_element_type3A : vector<256x128xi32> to vector<256x128xf32>
    %dot_general3A = arith.constant dense<0.000000e+00> : vector<128x128xf32>
    %dot_general3A_25 = tpu.matmul %convert_element_type3A_24, %max3A_18, %dot_general3A {dimension_numbers = #tpu.dot_dimension_numbers<[0], [0], [1], [1], [0, 1, 1, 1], [], []>, transpose_lhs_hint = false} : vector<256x128xf32>, vector<256x128xf32>, vector<128x128xf32> -> vector<128x128xf32>
    %broadcast_in_dim3A_26 = arith.constant 1.000000e+00 : f32
    %broadcast_in_dim3A_27 = vector.broadcast %broadcast_in_dim3A_26 : f32 to vector<256x128xf32>
    %dot_general3A_28 = arith.constant dense<0.000000e+00> : vector<128x128xf32>
    %dot_general3A_29 = tpu.matmul %convert_element_type3A_24, %broadcast_in_dim3A_27, %dot_general3A_28 {dimension_numbers = #tpu.dot_dimension_numbers<[0], [0], [1], [1], [0, 1, 1, 1], [], []>, transpose_lhs_hint = false} : vector<256x128xf32>, vector<256x128xf32>, vector<128x128xf32> -> vector<128x128xf32>
    %get3A_30 = arith.constant 0 : index
    %get3A_31 = arith.constant 0 : index
    %get3A_32 = arith.constant 0 : index
    %get3A_33 = vector.load %arg8[%get3A_30, %get3A_31, %get3A_32] : memref<1x1x128xi32, #tpu.memory_space<vmem>>, vector<1x1x128xi32>
    %squeeze3A_34 = vector.shape_cast %get3A_33 : vector<1x1x128xi32> to vector<128xi32>
    %mul3A_35 = arith.constant 256 : i32
    %mul3A_36 = arith.muli %arg0, %mul3A_35 : i32
    %iota3A_37 = tpu.iota {dimensions = array<i32: 0>} : vector<256x128xi32>
    %add3A_38 = vector.broadcast %mul3A_36 : i32 to vector<256x128xi32>
    %add3A_39 = arith.addi %add3A_38, %iota3A_37 : vector<256x128xi32>
    %broadcast_in_dim3A_40 = vector.shape_cast %squeeze3A_34 : vector<128xi32> to vector<1x128xi32>
    %eq3A_41 = vector.broadcast %broadcast_in_dim3A_40 : vector<1x128xi32> to vector<256x128xi32>
    %eq3A_42 = arith.cmpi eq, %add3A_39, %eq3A_41 : vector<256x128xi32>
    %convert_element_type3A_43 = arith.extui %eq3A_42 : vector<256x128xi1> to vector<256x128xi32>
    %convert_element_type3A_44 = arith.sitofp %convert_element_type3A_43 : vector<256x128xi32> to vector<256x128xf32>
    %get3A_45 = arith.constant 0 : index
    %get3A_46 = arith.constant 0 : index
    %get3A_47 = vector.load %arg7[%get3A_45, %get3A_46] : memref<256x256xf32, #tpu.memory_space<vmem>>, vector<256x256xf32>
    %dot_general3A_48 = arith.constant dense<0.000000e+00> : vector<128x256xf32>
    %dot_general3A_49 = tpu.matmul %convert_element_type3A_44, %get3A_47, %dot_general3A_48 {dimension_numbers = #tpu.dot_dimension_numbers<[0], [0], [1], [1], [0, 1, 1, 1], [], []>, transpose_lhs_hint = false} : vector<256x128xf32>, vector<256x256xf32>, vector<128x256xf32> -> vector<128x256xf32>
    %eq3A_50 = arith.constant 0 : i32
    %eq3A_51 = arith.cmpi eq, %arg0, %eq3A_50 : i32
    %convert_element_type3A_52 = arith.extui %eq3A_51 : i1 to i32
    %cond3A = arith.constant 0 : i32
    %cond3A_53 = arith.cmpi ne, %convert_element_type3A_52, %cond3A : i32
    scf.if %cond3A_53 {
      %swap3A = arith.constant 0 : index
      %swap3A_63 = arith.constant 0 : index
      %swap3A_64 = vector.load %arg10[%swap3A, %swap3A_63] : memref<128x128xf32, #tpu.memory_space<vmem>>, vector<128x128xf32>
      tpu.vector_store %arg10[%swap3A, %swap3A_63], %dot_general3A_25 {strides = array<i32>} : memref<128x128xf32, #tpu.memory_space<vmem>>, vector<128x128xf32>,
      %swap3A_65 = arith.constant 0 : index
      %swap3A_66 = arith.constant 0 : index
      %swap3A_67 = vector.load %arg11[%swap3A_65, %swap3A_66] : memref<128x128xf32, #tpu.memory_space<vmem>>, vector<128x128xf32>
      tpu.vector_store %arg11[%swap3A_65, %swap3A_66], %dot_general3A_29 {strides = array<i32>} : memref<128x128xf32, #tpu.memory_space<vmem>>, vector<128x128xf32>,
      %swap3A_68 = arith.constant 0 : index
      %swap3A_69 = arith.constant 0 : index
      %swap3A_70 = vector.load %arg12[%swap3A_68, %swap3A_69] : memref<128x256xf32, #tpu.memory_space<vmem>>, vector<128x256xf32>
      tpu.vector_store %arg12[%swap3A_68, %swap3A_69], %dot_general3A_49 {strides = array<i32>} : memref<128x256xf32, #tpu.memory_space<vmem>>, vector<128x256xf32>,
    } else {
    }
    %gt3A = arith.constant 0 : i32
    %gt3A_54 = arith.cmpi sgt, %arg0, %gt3A : i32
    %convert_element_type3A_55 = arith.extui %gt3A_54 : i1 to i32
    %cond3A_56 = arith.constant 0 : i32
    %cond3A_57 = arith.cmpi ne, %convert_element_type3A_55, %cond3A_56 : i32
    scf.if %cond3A_57 {
      %get3A_63 = arith.constant 0 : index
      %get3A_64 = arith.constant 0 : index
      %get3A_65 = vector.load %arg10[%get3A_63, %get3A_64] : memref<128x128xf32, #tpu.memory_space<vmem>>, vector<128x128xf32>
      %add3A_66 = arith.addf %get3A_65, %dot_general3A_25 : vector<128x128xf32>
      %swap3A = arith.constant 0 : index
      %swap3A_67 = arith.constant 0 : index
      %swap3A_68 = vector.load %arg10[%swap3A, %swap3A_67] : memref<128x128xf32, #tpu.memory_space<vmem>>, vector<128x128xf32>
      tpu.vector_store %arg10[%swap3A, %swap3A_67], %add3A_66 {strides = array<i32>} : memref<128x128xf32, #tpu.memory_space<vmem>>, vector<128x128xf32>,
      %get3A_69 = arith.constant 0 : index
      %get3A_70 = arith.constant 0 : index
      %get3A_71 = vector.load %arg11[%get3A_69, %get3A_70] : memref<128x128xf32, #tpu.memory_space<vmem>>, vector<128x128xf32>
      %add3A_72 = arith.addf %get3A_71, %dot_general3A_29 : vector<128x128xf32>
      %swap3A_73 = arith.constant 0 : index
      %swap3A_74 = arith.constant 0 : index
      %swap3A_75 = vector.load %arg11[%swap3A_73, %swap3A_74] : memref<128x128xf32, #tpu.memory_space<vmem>>, vector<128x128xf32>
      tpu.vector_store %arg11[%swap3A_73, %swap3A_74], %add3A_72 {strides = array<i32>} : memref<128x128xf32, #tpu.memory_space<vmem>>, vector<128x128xf32>,
      %get3A_76 = arith.constant 0 : index
      %get3A_77 = arith.constant 0 : index
      %get3A_78 = vector.load %arg12[%get3A_76, %get3A_77] : memref<128x256xf32, #tpu.memory_space<vmem>>, vector<128x256xf32>
      %add3A_79 = arith.addf %get3A_78, %dot_general3A_49 : vector<128x256xf32>
      %swap3A_80 = arith.constant 0 : index
      %swap3A_81 = arith.constant 0 : index
      %swap3A_82 = vector.load %arg12[%swap3A_80, %swap3A_81] : memref<128x256xf32, #tpu.memory_space<vmem>>, vector<128x256xf32>
      tpu.vector_store %arg12[%swap3A_80, %swap3A_81], %add3A_79 {strides = array<i32>} : memref<128x256xf32, #tpu.memory_space<vmem>>, vector<128x256xf32>,
    } else {
    }
    %eq3A_58 = arith.constant 39 : i32
    %eq3A_59 = arith.cmpi eq, %arg0, %eq3A_58 : i32
    %convert_element_type3A_60 = arith.extui %eq3A_59 : i1 to i32
    %cond3A_61 = arith.constant 0 : i32
    %cond3A_62 = arith.cmpi ne, %convert_element_type3A_60, %cond3A_61 : i32
    scf.if %cond3A_62 {
      %get3A_63 = arith.constant 0 : index
      %get3A_64 = arith.constant 0 : index
      %get3A_65 = vector.load %arg11[%get3A_63, %get3A_64] : memref<128x128xf32, #tpu.memory_space<vmem>>, vector<128x128xf32>
      %get3A_66 = arith.constant 0 : index
      %get3A_67 = arith.constant 0 : index
      %get3A_68 = vector.load %arg10[%get3A_66, %get3A_67] : memref<128x128xf32, #tpu.memory_space<vmem>>, vector<128x128xf32>
      %max3A_69 = arith.constant 1.000000e+00 : f32
      %max3A_70 = vector.broadcast %max3A_69 : f32 to vector<128x128xf32>
      %max3A_71 = arith.maximumf %get3A_65, %max3A_70 : vector<128x128xf32>
      %div3A = arith.divf %get3A_68, %max3A_71 : vector<128x128xf32>
      %slice3A = vector.extract_strided_slice %get3A_65 {offsets = [0, 0], sizes = [128, 1], strides = [1, 1]} : vector<128x128xf32> to vector<128x1xf32>
      %gt3A_72 = arith.constant 0.000000e+00 : f32
      %gt3A_73 = vector.broadcast %gt3A_72 : f32 to vector<128x1xf32>
      %gt3A_74 = arith.cmpf ogt, %slice3A, %gt3A_73 : vector<128x1xf32>
      %broadcast_in_dim3A_75 = vector.shape_cast %gt3A_74 : vector<128x1xi1> to vector<128x1xi1>
      %broadcast_in_dim3A_76 = vector.broadcast %broadcast_in_dim3A_75 : vector<128x1xi1> to vector<128x256xi1>
      %convert_element_type3A_77 = arith.extui %broadcast_in_dim3A_76 : vector<128x256xi1> to vector<128x256xi32>
      %convert_element_type3A_78 = arith.sitofp %convert_element_type3A_77 : vector<128x256xi32> to vector<128x256xf32>
      %get3A_79 = arith.constant 0 : index
      %get3A_80 = arith.constant 0 : index
      %get3A_81 = vector.load %arg12[%get3A_79, %get3A_80] : memref<128x256xf32, #tpu.memory_space<vmem>>, vector<128x256xf32>
      %mul3A_82 = arith.mulf %get3A_81, %convert_element_type3A_78 : vector<128x256xf32>
      %concatenate3A = tpu.concatenate %div3A, %mul3A_82 in 1 : vector<128x128xf32>, vector<128x256xf32> -> vector<128x384xf32>
      %swap3A = arith.constant 0 : index
      %swap3A_83 = arith.constant 0 : index
      %swap3A_84 = vector.load %arg9[%swap3A, %swap3A_83] : memref<128x384xf32, #tpu.memory_space<vmem>>, vector<128x384xf32>
      tpu.vector_store %arg9[%swap3A, %swap3A_83], %concatenate3A {strides = array<i32>} : memref<128x384xf32, #tpu.memory_space<vmem>>, vector<128x384xf32>,
    } else {
    }
    return
  }
  func.func @transform_0(%arg0: i32) -> (i32, i32) {
    %c0_i32 = arith.constant 0 : i32
    %c0_i32_0 = arith.constant 0 : i32
    return %arg0, %c0_i32 : i32, i32
  }
  func.func @transform_1(%arg0: i32) -> (i32, i32) {
    %c0_i32 = arith.constant 0 : i32
    %c0_i32_0 = arith.constant 0 : i32
    return %arg0, %c0_i32 : i32, i32
  }
  func.func @transform_2(%arg0: i32) -> (i32, i32) {
    %c0_i32 = arith.constant 0 : i32
    %c0_i32_0 = arith.constant 0 : i32
    return %arg0, %c0_i32 : i32, i32
  }
  func.func @transform_3(%arg0: i32) -> (i32, i32) {
    %c0_i32 = arith.constant 0 : i32
    %c0_i32_0 = arith.constant 0 : i32
    return %arg0, %c0_i32 : i32, i32
  }
  func.func @transform_4(%arg0: i32) -> (i32, i32) {
    %c0_i32 = arith.constant 0 : i32
    %c0_i32_0 = arith.constant 0 : i32
    %c0_i32_1 = arith.constant 0 : i32
    return %c0_i32, %c0_i32_0 : i32, i32
  }
  func.func @transform_5(%arg0: i32) -> (i32, i32, i32) {
    %c0_i32 = arith.constant 0 : i32
    %c0_i32_0 = arith.constant 0 : i32
    %c0_i32_1 = arith.constant 0 : i32
    return %arg0, %c0_i32, %c0_i32_0 : i32, i32, i32
  }
  func.func @transform_6(%arg0: i32) -> (i32, i32) {
    %c0_i32 = arith.constant 0 : i32
    %c0_i32_0 = arith.constant 0 : i32
    return %arg0, %c0_i32 : i32, i32
  }
  func.func @transform_7(%arg0: i32) -> (i32, i32, i32) {
    %c0_i32 = arith.constant 0 : i32
    %c0_i32_0 = arith.constant 0 : i32
    %c0_i32_1 = arith.constant 0 : i32
    %c0_i32_2 = arith.constant 0 : i32
    return %c0_i32, %c0_i32_0, %c0_i32_1 : i32, i32, i32
  }
  func.func @transform_8(%arg0: i32) -> (i32, i32) {
    %c0_i32 = arith.constant 0 : i32
    %c0_i32_0 = arith.constant 0 : i32
    %c0_i32_1 = arith.constant 0 : i32
    return %c0_i32, %c0_i32_0 : i32, i32
  }
}

</mosaic_0001>

<sc_bundles>
// kernel: kernel.10.cloned.1.call-start
scs
__scs_entry_jumppad:
0x0: {  	(pc) =	sbr.rel $0x88, $3  }
0x1: {  	(tag) =	ssettag $0x0;
	lr =	simm.s32 $0x1  }
0x2: {  	[smem:$0x3F99] =	sst lr;
	_ =	strace $0xD0000000  }
0x3: {  	_ = 	snop  }
0x4: {  	_ = 	snop  }
0x5: {  	_ = 	snop  }
0x6: {  	_ = 	snop  }
0x7: {  	_ = 	snop  }
__scs_overlays_trampoline_lowered:
0x8: {  	[smem:$0x3FA8] =	sst s0  }
0x9: {  	[smem:$0x3FA9] =	sst s1  }
0xa: {  	[smem:$0x3FAA] =	sst s2  }
0xb: {  	[smem:$0x3FAB] =	sst s3  }
0xc: {  	[smem:$0x3FAC] =	sst s4  }
0xd: {  	[smem:$0x3FAD] =	sst s5  }
0xe: {  	[smem:$0x3FAE] =	sst s6  }
0xf: {  	[smem:$0x3FAF] =	sst s7  }
0x10: {  	[smem:$0x3FB0] =	sst s8  }
0x11: {  	[smem:$0x3FB1] =	sst s9;
	s0 =	simm.s32 @!p0 $0x0  }
0x12: {  	s1 =	sld [smem:$0x3F97];
	s0 =	simm.s32 @p0 $0x1  }
0x13: {  	[smem:$0x3FB2] =	sst s0;
	s0 =	simm.s32 @!p1 $0x0  }
0x14: {  	s2 =	sld [smem:$0x3F96];
	s0 =	simm.s32 @p1 $0x1  }
0x15: {  	[smem:$0x3FB3] =	sst s0;
	s0 =	simm.s32 @!p2 $0x0  }
0x16: {  	s3 =	sld [smem:$0x3FDB];
	s0 =	simm.s32 @p2 $0x1  }
0x17: {  	s4 =	simm.s32 $0x1BF5;
	[smem:$0x3FB5] =	sst s0  }
0x18: {  	s0 =	sld [smem:$0x3F98];
	_ =	swait.ge [sflag:s4], $0x0  }
0x19: {  	s7 =	sld [smem:$0x3F99]  }
0x1a: {  	s8 =	sadd.s32 $0xFFFFE003, lr  }
0x1b: {  	s9 =	sadd.s32 $0xFFFFFEF7, lr;
	s5 =	simm.s32 $0xFFFFFFFF;
	p2 =	slt.u32 s8, $0xFFFFF086  }
0x1c: {  	p1 =	slt.u32 s9, $0xF7A;
	s5 =	simm.s32 @!p2 $0x0  }
0x1d: {  	s5 =	simm.s32 @p1 $0x1;
	p0 =	seq.s32 s7, s2  }
0x1e: {  	s7 =	smul.u32 @!p0 $0xF7A, s2;
	p2 =	seq.s32 @!p0 s5, $0x0  }
0x1f: {  	s9 =	smul.u32 $0xF7A, s1;
	s8 =	simm.s32 @!p0 $0x1BF5;
	p2 =	por !p2, p0  }
0x20: {  	[sflag:s8] =	ssyncset.s32 @!p0 $0xFFFFF086;
	s6 =	sadd.s32 @!p0 s3, s7;
	s7 =	simm.s32 @!p0 $0x108  }
0x21: {  	s3 =	sadd.s32 s3, s9;
	s6 =	sadd.s32 @!p0 $0x88, s6;
	s7 =	simm.s32 @p2 $0x1082  }
0x22: {  	[simem:s7], [sflag:s8] =	dma.local @!p0 [hbm:s6], $0xF7A  }
0x23: {  	s9 =	sor.u32 $0xD0000000, s2;
	s6 =	simm.s32 $0x108;
	_ =	swait.ge @!p0 [sflag:s8], $0x0  }
0x24: {  	s3 =	sadd.s32 $0x88, s3;
	s6 =	simm.s32 @!p1 $0x1082;
	[sflag:s4] =	ssyncset.s32 $0xFFFFF086  }
0x25: {  	[simem:s6], [sflag:s4] =	dma.local [hbm:s3], $0xF7A  }
0x26: {  	[smem:$0x3F99] =	sst s1;
	(tag) =	ssettag s2;
	_ =	strace s9  }
0x27: {  	s1 =	sld [smem:$0x3FA9]  }
0x28: {  	s2 =	sld [smem:$0x3FAA]  }
0x29: {  	s4 =	sld [smem:$0x3FAC]  }
0x2a: {  	p0 =	seq.s32 s5, $0x0;
	s5 =	sld [smem:$0x3FAD]  }
0x2b: {  	s6 =	sld [smem:$0x3FAE]  }
0x2c: {  	s7 =	sld [smem:$0x3FAF]  }
0x2d: {  	s3 =	simm.s32 $0x108;
	s8 =	sld [smem:$0x3FB0]  }
0x2e: {  	s3 =	simm.s32 @!p0 $0x1082;
	s9 =	sld [smem:$0x3FB1]  }
0x2f: {  	lr =	sadd.s32 s0, s3;
	s0 =	sld [smem:$0x3FA8]  }
0x30: {  	s3 =	sld [smem:$0x3FAB]  }
0x31: {  	[smem:$0x3FB4] =	sst s10  }
0x32: {  	s10 =	sld [smem:$0x3FB2];
	_ =	sdelay $0x3  }
0x33: {  	p0 =	seq.s32 s10, $0x1;
	s10 =	sld [smem:$0x3FB4];
	_ =	sdelay $0x3  }
0x34: {  	[smem:$0x3FB4] =	sst s10  }
0x35: {  	s10 =	sld [smem:$0x3FB3];
	_ =	sdelay $0x3  }
0x36: {  	p1 =	seq.s32 s10, $0x1;
	s10 =	sld [smem:$0x3FB4];
	_ =	sdelay $0x3  }
0x37: {  	[smem:$0x3FB4] =	sst s10  }
0x38: {  	s10 =	sld [smem:$0x3FB5]  }
0x39: {  	_ = 	snop;
	(pc) =	sbr.ind lr, $3  }
0x3a: {  	_ = 	snop  }
0x3b: {  	_ = 	snop  }
0x3c: {  	p2 =	seq.s32 s10, $0x1;
	s10 =	sld [smem:$0x3FB4]  }
0x3d: {  	_ =	shalt  }
0x3e: {  	_ =	shalt  }
0x3f: {  	_ =	shalt  }
0x40: {  	_ =	shalt  }
0x41: {  	_ =	shalt  }
0x42: {  	_ =	shalt  }
0x43: {  	_ =	shalt  }
0x44: {  	_ =	shalt  }
0x45: {  	_ =	shalt  }
0x46: {  	_ =	shalt  }
0x47: {  	_ =	shalt  }
0x48: {  	_ =	shalt  }
0x49: {  	_ =	shalt  }
0x4a: {  	_ =	shalt  }
0x4b: {  	_ =	shalt  }
0x4c: {  	_ =	shalt  }
0x4d: {  	_ =	shalt  }
0x4e: {  	_ =	shalt  }
0x4f: {  	_ =	shalt  }
0x50: {  	_ =	shalt  }
0x51: {  	_ =	shalt  }
0x52: {  	_ =	shalt  }
0x53: {  	_ =	shalt  }
0x54: {  	_ =	shalt  }
0x55: {  	_ =	shalt  }
0x56: {  	_ =	shalt  }
0x57: {  	_ =	shalt  }
0x58: {  	_ =	shalt  }
0x59: {  	_ =	shalt  }
0x5a: {  	_ =	shalt  }
0x5b: {  	_ =	shalt  }
0x5c: {  	_ =	shalt  }
0x5d: {  	_ =	shalt  }
0x5e: {  	_ =	shalt  }
0x5f: {  	_ =	shalt  }
0x60: {  	_ =	shalt  }
0x61: {  	_ =	shalt  }
0x62: {  	_ =	shalt  }
0x63: {  	_ =	shalt  }
0x64: {  	_ =	shalt  }
0x65: {  	_ =	shalt  }
0x66: {  	_ =	shalt  }
0x67: {  	_ =	shalt  }
0x68: {  	_ =	shalt  }
0x69: {  	_ =	shalt  }
0x6a: {  	_ =	shalt  }
0x6b: {  	_ =	shalt  }
0x6c: {  	_ =	shalt  }
0x6d: {  	_ =	shalt  }
0x6e: {  	_ =	shalt  }
0x6f: {  	_ =	shalt  }
0x70: {  	_ =	shalt  }
0x71: {  	_ =	shalt  }
0x72: {  	_ =	shalt  }
0x73: {  	_ =	shalt  }
0x74: {  	_ =	shalt  }
0x75: {  	_ =	shalt  }
0x76: {  	_ =	shalt  }
0x77: {  	_ =	shalt  }
0x78: {  	_ =	shalt  }
0x79: {  	_ =	shalt  }
0x7a: {  	_ =	shalt  }
0x7b: {  	_ =	shalt  }
0x7c: {  	_ =	shalt  }
0x7d: {  	_ =	shalt  }
0x7e: {  	_ =	shalt  }
0x7f: {  	_ =	shalt  }
0x80: {  	_ =	shalt  }
0x81: {  	_ =	shalt  }
0x82: {  	_ =	shalt  }
0x83: {  	_ =	shalt  }
0x84: {  	_ =	shalt  }
0x85: {  	_ =	shalt  }
0x86: {  	_ =	shalt  }
0x87: {  	_ =	shalt  }
.Lfunc_end0:
.L_simem_size_0:
called_computation_lowered:
.L_overlay_start_0:
0x88: {  	s2 =	sld [smem:$0x3FD9]  }
0x89: {  	s3 =	sld [smem:$0x3FFE];
	_ =	sdelay $0x1  }
0x8a: {  	s1 =	srdreg.scid  }
0x8b: {  	s0 =	sand.u32 $0x1, s1  }
0x8c: {  	s17 =	sshll.u32 s0, $0xA;
	s2 =	sadd.s32 s3, s2  }
0x8d: {  	s2 =	sadd.s32 s2, s17  }
0x8e: {  	[smem:$0x3FC0] =	sst s2  }
0x8f: {  	_ = 	snop  }
0x90: {  	s2 =	sld [smem:$0x3FC3]  }
0x91: {  	s18 =	sld [smem:$0x3FD0];
	(tm) =	ssettm $0x1  }
0x92: {  	s4 =	sld [smem:$0x3FFB];
	_ =	sdelay $0x3  }
0x93: {  	_ =	strace s4  }
0x94: {  	s4 =	sld [smem:$0x3FFC];
	_ =	sdelay $0x3  }
0x95: {  	_ =	strace s4  }
0x96: {  	s4 =	sld [smem:$0x3FFD];
	_ =	sdelay $0x3  }
0x97: {  	_ =	strace s4  }
0x98: {  	_ =	strace $0x8FFFFFFF  }
0x99: {  	s19 =	sld [smem:$0x3FDB];
	_ =	sdelay $0x1  }
0x9a: {  	s5 =	simm.s32 $_scs_section_size  }
0x9b: {  	s6 =	simm.s32 $_size__tile_overlayer_lowered;
	s7 =	simm.s32 $_tile_overlayer_lowered  }
0x9c: {  	s22 =	simm.s32 $0x1BFF;
	s21 =	sshll.u32 s7, $0x1;
	s4 =	sadd.s32 s5, s19  }
0x9d: {  	s8 =	simm.s32 $0x0;
	s20 =	sshll.u32 s6, $0x1;
	s6 =	sadd.s32 s21, s4  }
0x9e: {  	[timem:s8], [sflag:s22] =	dma.local [hbm:s6], s20  }
0x9f: {  	_ =	swait.ge [sflag:s22], s20  }
0xa0: {  	s5 =	ssub.s32 $0x0, s20;
	[sflag:s22] =	ssyncset.done $0x0  }
0xa1: {  	[sflag:s22] =	ssyncadd.s32 s5;
	_ =	sdelay $0x1  }
0xa2: {  	s23 =	simm.s32 $0x1B8B  }
0xa3: {  	_ =	swait.ge [sflag:s23], $0x1  }
0xa4: {  	[sflag:s23] =	ssyncset.done $0x0  }
0xa5: {  	s25 =	simm.s32 $0x1B8E;
	s24 =	sld [smem:$0x3FFE];
	[sflag:s23] =	ssyncadd.s32 $0xFFFFFFFF  }
0xa6: {  	s26 =	simm.s32 $execute0_lowered;
	[smem:$0x3FD2] =	sst s25  }
0xa7: {  	s6 =	sshll.u32 s26, $0x1;
	_ =	strace $0x80000046;
	[dreg:$0x1] =	wrdreg $0xFFFFFFFF  }
0xa8: {  	s28 =	simm.s32 $_size_execute0_lowered;
	s4 =	sadd.s32 s4, s6;
	[dreg:$0x0] =	wrdreg $0x0  }
0xa9: {  	s6 =	sshll.u32 s28, $0x1;
	[dreg:$0x2] =	wrdreg s4  }
0xaa: {  	[dreg:$0x3] =	wrdreg s6  }
0xab: {  	[dreg:$0x4] =	wrdreg $0xC0  }
0xac: {  	_ =	task [dreg:s8], $0x5FFFF  }
0xad: {  	[dreg:$0x1] =	wrdreg $0xFFFFFFFF  }
0xae: {  	[dreg:$0x0] =	wrdreg $0x60  }
0xaf: {  	[dreg:$0x2] =	wrdreg s24  }
0xb0: {  	[dreg:$0x3] =	wrdreg s2  }
0xb1: {  	[dreg:$0x4] =	wrdreg s18  }
0xb2: {  	[dreg:$0x5] =	wrdreg $0x0  }
0xb3: {  	[dreg:$0x6] =	wrdreg $0x9  }
0xb4: {  	_ =	task.clear_ibuf [dreg:s8], $0x7FFFF;
	_ =	strace $0x90000046  }
0xb5: {  	s29 =	simm.s32 $0x9;
	_ =	strace $0x80000048  }
0xb6: {  	_ =	swait.ge [sflag:s29], $0x1  }
0xb7: {  	[sflag:s29] =	ssyncadd.s32 $0xFFFFFFFF  }
0xb8: {  	_ =	strace $0x90000048  }
0xb9: {  	_ =	sfence  }
0xba: {  	s30 =	sld [smem:$0x0];
	_ =	sdelay $0x2  }
0xbb: {  	s31 =	sshll.u32 s1, $0xD;
	s1 =	sshrl.u32 s1, $0x2  }
0xbc: {  	s3 =	sand.u32 $0x4000, s31;
	s1 =	sadd.s32 s1, s30  }
0xbd: {  	s0 =	sor.u32 s3, s0;
	s1 =	sshll.u32 s1, $0x11  }
0xbe: {  	s0 =	sor.u32 s1, s0  }
0xbf: {  	s0 =	sadd.s32 $0x8F2B, s0  }
0xc0: {  	[sflag:s0] =	ssyncadd.remote.s32 $0x1  }
0xc1: {  	_ =	sfence.sel $0xFFFF  }
0xc2: {  	[dreg:$0x0] =	wrdreg $0xFFFFFFFF;
	(pc) =	sbr.abs _section_cstart, $3  }
0xc3: {  	[dreg:$0x1] =	wrdreg $0xFFFFFFFF  }
0xc4: {  	_ =	task.clear_ibuf [dreg:s8], $0x2FFFF;
	_ =	strace $0x9FFFFFFF  }
0xc5: {  	(tm) =	ssettm $0x7FFFFFFF  }
tec
execute0_lowered:
.L_overlay_start_1:
0x0: {  	(tag) =	ssettag $0x1  }
0x1: {  	s7 =	rddreg [dreg:$0x0]  }
0x2: {  	s2 =	rddreg [dreg:$0x1]  }
0x3: {  	s10 =	rddreg [dreg:$0x2]  }
0x4: {  	s3 =	rddreg [dreg:$0x3];
	s1 =	stileid.u32  }
0x5: {  	s0 =	rddreg [dreg:$0x4];
	s4 =	simm.s32 $0x0;
	s9 =	srdreg.scid  }
0x6: {  	s18 =	simm.s32 $0x1;
	s19 =	simm.s32 $0x20;
	s20 =	simm.s32 $0x10  }
0x7: {  	s21 =	simm.s32 $0x0;
	s5 =	smul.u32 $0xA00, s1;
	[smem:$0x7FF] =	sst s4  }
0x8: {  	s8 =	smul.u32 $0x280, s1;
	s9 =	sand.u32 $0x1, s9;
	s15 =	sshll.u32 s1, $0x1  }
0x9: {  	s16 =	smul.u32 $0x500, s1;
	s29 =	sshll.u32 s1, $0x6;
	_ =	strace $0x80000047  }
0xa: {  	s13 =	ssub.s32 $0x2, s9;
	s25 =	sor.u32 s9, s15;
	s26 =	sshll.u32 s9, $0x7  }
0xb: {  	s28 =	smul.u32 $0x500, s9;
	s9 =	sor.u32 $0x1C02, s29;
	s11 =	sadd.s32 s5, s7  }
0xc: {  	s6 =	sshrl.u32 s8, $0x3;
	s5 =	sadd.s32 $0xD800, s7;
	s14 =	sshrl.u32 s13, $0x1  }
0xd: {  	s17 =	sadd.s32 s8, s3;
	s15 =	sor.u32 s26, s16;
	p0 =	sne.s32 s25, $0x0  }
0xe: {  	s16 =	simm.s32 $0x280;
	s12 =	sadd.s32 s6, s7;
	s6 =	sadd.s32 $0x35800, s7  }
0xf: {  	s7 =	sadd.s32 $0x36000, s7;
	s13 =	ssub.s32 s13, s14;
	s30 =	sshrl.u32 s15, $0x3  }
0x10: {  	s31 =	sadd.s32 s28, s11;
	s14 =	simm.s32 $0x2;
	s15 =	simm.s32 $0x300  }
0x11: {  	s8 =	sadd.s32 $0x35A00, s12;
	s10 =	sadd.s32 s10, s30;
	s11 =	smax.u32 s13, $0x1  }
0x12: {  	s12 =	sadd.s32 $0x3800, s31;
	s13 =	sshrl.u32 s17, $0x3;
	s17 =	simm.s32 $0x80  }
.LBB2_1:
0x13: {  	[spmem:s13], [sflag:s9] =	dma.local [hbm:s8], $0x50  }
0x14: {  	_ =	swait.ge [sflag:s14], $0x50  }
0x15: {  	[sflag:s14] =	ssyncset.done $0x0  }
0x16: {  	[sflag:s14] =	ssyncadd.s32 $0xFFFFFFB0  }
0x17: {  	[tilespmem:s15], [sflag:$0x2] =	stream.linear.gather [hbm4b:s6+s4], $0x80, $0x38;
	[tilespmem:$0x4400] =	vst v63  }
0x18: {  	_ =	swait.ge [sflag:s14], $0x80  }
0x19: {  	s22 =	simm.s32 @!p0 $0x0;
	[sflag:s14] =	ssyncset.done $0x0  }
0x1a: {  	s23 =	simm.s32 @!p0 $0x380;
	s24 =	simm.s32 @!p0 $0x2;
	[sflag:s14] =	ssyncadd.s32 $0xFFFFFF80  }
0x1b: {  	[tilespmem:s23], [sflag:$0x2] =	stream.linear.gather @!p0 [hbm4b:s2+s22], $0x80, $0x38;
	[tilespmem:$0x4400] =	vst v63  }
0x1c: {  	_ =	swait.ge @!p0 [sflag:s24], $0x80  }
0x1d: {  	[sflag:s24] =	ssyncset.done @!p0 $0x0  }
0x1e: {  	s25 =	simm.s32 @!p0 $0x80;
	s26 =	simm.s32 @!p0 $0x400;
	[sflag:s24] =	ssyncadd.s32 @!p0 $0xFFFFFF80  }
0x1f: {  	[tilespmem:s26], [sflag:$0x1] =	stream.indirect.gather @!p0 [hbm4b:s5+s25], $0x80, s23, s25, $0xb8;
	[tilespmem:$0x4400] =	vst v63  }
0x20: {  	s23 =	simm.s32 @!p0 $0x1  }
0x21: {  	_ =	swait.ge @!p0 [sflag:s23], $0x4000  }
0x22: {  	[sflag:s23] =	ssyncset.done @!p0 $0x0  }
0x23: {  	[sflag:s23] =	ssyncadd.s32 @!p0 $0xFFFFC000  }
0x24: {  	[hbm4b:s7+s22] =	stream.linear.scatter @!p0 [tilespmem:s26], [sflag:$0x2], $0x4000, $0x38;
	[tilespmem:$0x4400] =	vst v63  }
0x25: {  	_ =	swait.ge @!p0 [sflag:s24], $0x4000  }
0x26: {  	[sflag:s24] =	ssyncset.done @!p0 $0x0  }
0x27: {  	[sflag:s24] =	ssyncadd.s32 @!p0 $0xFFFFC000  }
0x28: {  	s31 =	sadd.s32 $0x0, s12;
	[bflag:$0x0] =	sbarrier.arrive $0xFFFF  }
0x29: {  	[tilespmem:s16], [sflag:$0x2] =	stream.linear.gather [hbm4b:s31+s4], $0x80, $0x38;
	[tilespmem:$0x4400] =	vst v63  }
0x2a: {  	_ =	swait.ge [sflag:s14], $0x80  }
0x2b: {  	[sflag:s14] =	ssyncset.done $0x0  }
0x2c: {  	[sflag:s14] =	ssyncadd.s32 $0xFFFFFF80  }
0x2d: {  	[spmem:s3] =	stream.indirect.scatter.add.f32 [tilespmem:s15], [sflag:$0x2], $0x1, s16, s17, $0xb8;
	[tilespmem:$0x4400] =	vst v63  }
0x2e: {  	_ =	swait.ge [sflag:s14], $0x80  }
0x2f: {  	s23 =	simm.s32 $0x20;
	s22 =	simm.s32 $0x10;
	[sflag:s14] =	ssyncset.done $0x0  }
.LBB2_2:
0x30: {  	s24 =	sadd.s32 s22, s12  }
0x31: {  	[sflag:s14] =	ssyncadd.s32 $0xFFFFFF80;
	s22 =	smov.u32 s23;
	s25 =	sadd.s32 $0x10, s23  }
0x32: {  	[tilespmem:s16], [sflag:$0x2] =	stream.linear.gather [hbm4b:s24+s4], $0x80, $0x38;
	[tilespmem:$0x4400] =	vst v63  }
0x33: {  	p1 =	sne.s32 s23, $0x4F0;
	_ =	swait.ge [sflag:s14], $0x80  }
.Ltmp0:
0x34: {  	[sflag:s14] =	ssyncset.done $0x0;
	(pc) =	sbr.rel @p1 .LBB2_2-.Ltmp0, $4  }
0x35: {  	[sflag:s14] =	ssyncadd.s32 $0xFFFFFF80  }
0x36: {  	[spmem:s3] =	stream.indirect.scatter.add.f32 [tilespmem:s15], [sflag:$0x2], $0x1, s16, s17, $0xb8;
	[tilespmem:$0x4400] =	vst v63  }
0x37: {  	_ =	swait.ge [sflag:s14], $0x80  }
0x38: {  	s23 =	smov.u32 s25;
	[sflag:s14] =	ssyncset.done $0x0  }
0x39: {  	s22 =	sadd.s32 s22, s12;
	[sflag:s14] =	ssyncadd.s32 $0xFFFFFF80  }
0x3a: {  	[tilespmem:s16], [sflag:$0x2] =	stream.linear.gather [hbm4b:s22+s4], $0x80, $0x38;
	[tilespmem:$0x4400] =	vst v63  }
0x3b: {  	_ =	swait.ge [sflag:s14], $0x80  }
0x3c: {  	[sflag:s14] =	ssyncset.done $0x0  }
0x3d: {  	[sflag:s14] =	ssyncadd.s32 $0xFFFFFF80  }
0x3e: {  	[spmem:s3] =	stream.indirect.scatter.add.f32 [tilespmem:s15], [sflag:$0x2], $0x1, s16, s17, $0xb8;
	[tilespmem:$0x4400] =	vst v63  }
0x3f: {  	_ =	swait.ge [sflag:s14], $0x80  }
0x40: {  	s21 =	sadd.s32 $0x1, s21;
	[sflag:s14] =	ssyncset.done $0x0  }
0x41: {  	p1 =	sne.s32 s21, s11;
	[sflag:s14] =	ssyncadd.s32 $0xFFFFFF80  }
.Ltmp1:
0x42: {  	[bflag:$0x0] =	sbarrier.arrive $0xFFFF;
	(pc) =	sbr.rel @p1 .LBB2_1-.Ltmp1, $4  }
0x43: {  	[hbm:s10@s19], [sflag:s9] =	dma.strided [spmem:s13@s20], $0x50, s18, $0x10   }
0x44: {  	_ =	swait.ge [sflag:s14], $0x50  }
0x45: {  	[sflag:s14] =	ssyncset.done $0x0  }
0x46: {  	[sflag:s14] =	ssyncadd.s32 $0xFFFFFFB0  }
0x47: {  	_ =	sfence.sel $0x180000  }
0x48: {  	[bflag:$0x0] =	sbarrier.arrive $0xFFFF  }
0x49: {  	p0 =	sne.s32 s1, $0x0;
	_ =	strace $0x90000047  }
0x4a: {  	s0 =	sadd.s32 @!p0 $0x100000, s0;
	[bflag:$0x2] =	sbarrier.arrive $0xFFFF  }
0x4b: {  	[sflag:s0] =	ssyncadd.tile.s32 @!p0 $0x1;
	_ =	shalt  }
.Lfunc_end2:
_tile_overlayer_lowered:
.L_overlay_start_2:
0x4c: {  	(tag) =	ssettag $0x2  }
0x4d: {  	s0 =	rddreg [dreg:$0x0];
	s2 =	stileid.u32  }
0x4e: {  	s1 =	rddreg [dreg:$0x1];
	p0 =	sne.s32 s2, $0x0  }
0x4f: {  	s3 =	rddreg [dreg:$0x2];
	[bflag:$0x3] =	sbarrier.arrive $0xFFFF;
	s2 =	simm.s32 @!p0 $0x1C02  }
0x50: {  	[timem:s3], [sflag:s2] =	dma.local @!p0 [hbm:s0], s1  }
0x51: {  	s0 =	simm.s32 @!p0 $0x2  }
0x52: {  	_ =	swait.ge @!p0 [sflag:s0], s1  }
0x53: {  	s1 =	ssub.s32 @!p0 $0x0, s1;
	[sflag:s0] =	ssyncset.done @!p0 $0x0  }
0x54: {  	[sflag:s0] =	ssyncadd.s32 @!p0 s1  }
0x55: {  	[bflag:$0x3] =	sbarrier.arrive $0xFFFF  }
0x56: {  	_ =	shalt  }

// kernel: kernel.13.cloned.1.call-start
scs
__scs_entry_jumppad:
0x0: {  	(pc) =	sbr.rel $0x88, $3  }
0x1: {  	(tag) =	ssettag $0x0;
	lr =	simm.s32 $0x1  }
0x2: {  	[smem:$0x3F99] =	sst lr;
	_ =	strace $0xD0000000  }
0x3: {  	_ = 	snop  }
0x4: {  	_ = 	snop  }
0x5: {  	_ = 	snop  }
0x6: {  	_ = 	snop  }
0x7: {  	_ = 	snop  }
__scs_overlays_trampoline_lowered:
0x8: {  	[smem:$0x3FA8] =	sst s0  }
0x9: {  	[smem:$0x3FA9] =	sst s1  }
0xa: {  	[smem:$0x3FAA] =	sst s2  }
0xb: {  	[smem:$0x3FAB] =	sst s3  }
0xc: {  	[smem:$0x3FAC] =	sst s4  }
0xd: {  	[smem:$0x3FAD] =	sst s5  }
0xe: {  	[smem:$0x3FAE] =	sst s6  }
0xf: {  	[smem:$0x3FAF] =	sst s7  }
0x10: {  	[smem:$0x3FB0] =	sst s8  }
0x11: {  	[smem:$0x3FB1] =	sst s9;
	s0 =	simm.s32 @!p0 $0x0  }
0x12: {  	s1 =	sld [smem:$0x3F97];
	s0 =	simm.s32 @p0 $0x1  }
0x13: {  	[smem:$0x3FB2] =	sst s0;
	s0 =	simm.s32 @!p1 $0x0  }
0x14: {  	s2 =	sld [smem:$0x3F96];
	s0 =	simm.s32 @p1 $0x1  }
0x15: {  	[smem:$0x3FB3] =	sst s0;
	s0 =	simm.s32 @!p2 $0x0  }
0x16: {  	s3 =	sld [smem:$0x3FDB];
	s0 =	simm.s32 @p2 $0x1  }
0x17: {  	s4 =	simm.s32 $0x1BF5;
	[smem:$0x3FB5] =	sst s0  }
0x18: {  	s0 =	sld [smem:$0x3F98];
	_ =	swait.ge [sflag:s4], $0x0  }
0x19: {  	s7 =	sld [smem:$0x3F99]  }
0x1a: {  	s8 =	sadd.s32 $0xFFFFE003, lr  }
0x1b: {  	s9 =	sadd.s32 $0xFFFFFEF7, lr;
	s5 =	simm.s32 $0xFFFFFFFF;
	p2 =	slt.u32 s8, $0xFFFFF086  }
0x1c: {  	p1 =	slt.u32 s9, $0xF7A;
	s5 =	simm.s32 @!p2 $0x0  }
0x1d: {  	s5 =	simm.s32 @p1 $0x1;
	p0 =	seq.s32 s7, s2  }
0x1e: {  	s7 =	smul.u32 @!p0 $0xF7A, s2;
	p2 =	seq.s32 @!p0 s5, $0x0  }
0x1f: {  	s9 =	smul.u32 $0xF7A, s1;
	s8 =	simm.s32 @!p0 $0x1BF5;
	p2 =	por !p2, p0  }
0x20: {  	[sflag:s8] =	ssyncset.s32 @!p0 $0xFFFFF086;
	s6 =	sadd.s32 @!p0 s3, s7;
	s7 =	simm.s32 @!p0 $0x108  }
0x21: {  	s3 =	sadd.s32 s3, s9;
	s6 =	sadd.s32 @!p0 $0x88, s6;
	s7 =	simm.s32 @p2 $0x1082  }
0x22: {  	[simem:s7], [sflag:s8] =	dma.local @!p0 [hbm:s6], $0xF7A  }
0x23: {  	s9 =	sor.u32 $0xD0000000, s2;
	s6 =	simm.s32 $0x108;
	_ =	swait.ge @!p0 [sflag:s8], $0x0  }
0x24: {  	s3 =	sadd.s32 $0x88, s3;
	s6 =	simm.s32 @!p1 $0x1082;
	[sflag:s4] =	ssyncset.s32 $0xFFFFF086  }
0x25: {  	[simem:s6], [sflag:s4] =	dma.local [hbm:s3], $0xF7A  }
0x26: {  	[smem:$0x3F99] =	sst s1;
	(tag) =	ssettag s2;
	_ =	strace s9  }
0x27: {  	s1 =	sld [smem:$0x3FA9]  }
0x28: {  	s2 =	sld [smem:$0x3FAA]  }
0x29: {  	s4 =	sld [smem:$0x3FAC]  }
0x2a: {  	p0 =	seq.s32 s5, $0x0;
	s5 =	sld [smem:$0x3FAD]  }
0x2b: {  	s6 =	sld [smem:$0x3FAE]  }
0x2c: {  	s7 =	sld [smem:$0x3FAF]  }
0x2d: {  	s3 =	simm.s32 $0x108;
	s8 =	sld [smem:$0x3FB0]  }
0x2e: {  	s3 =	simm.s32 @!p0 $0x1082;
	s9 =	sld [smem:$0x3FB1]  }
0x2f: {  	lr =	sadd.s32 s0, s3;
	s0 =	sld [smem:$0x3FA8]  }
0x30: {  	s3 =	sld [smem:$0x3FAB]  }
0x31: {  	[smem:$0x3FB4] =	sst s10  }
0x32: {  	s10 =	sld [smem:$0x3FB2];
	_ =	sdelay $0x3  }
0x33: {  	p0 =	seq.s32 s10, $0x1;
	s10 =	sld [smem:$0x3FB4];
	_ =	sdelay $0x3  }
0x34: {  	[smem:$0x3FB4] =	sst s10  }
0x35: {  	s10 =	sld [smem:$0x3FB3];
	_ =	sdelay $0x3  }
0x36: {  	p1 =	seq.s32 s10, $0x1;
	s10 =	sld [smem:$0x3FB4];
	_ =	sdelay $0x3  }
0x37: {  	[smem:$0x3FB4] =	sst s10  }
0x38: {  	s10 =	sld [smem:$0x3FB5]  }
0x39: {  	_ = 	snop;
	(pc) =	sbr.ind lr, $3  }
0x3a: {  	_ = 	snop  }
0x3b: {  	_ = 	snop  }
0x3c: {  	p2 =	seq.s32 s10, $0x1;
	s10 =	sld [smem:$0x3FB4]  }
0x3d: {  	_ =	shalt  }
0x3e: {  	_ =	shalt  }
0x3f: {  	_ =	shalt  }
0x40: {  	_ =	shalt  }
0x41: {  	_ =	shalt  }
0x42: {  	_ =	shalt  }
0x43: {  	_ =	shalt  }
0x44: {  	_ =	shalt  }
0x45: {  	_ =	shalt  }
0x46: {  	_ =	shalt  }
0x47: {  	_ =	shalt  }
0x48: {  	_ =	shalt  }
0x49: {  	_ =	shalt  }
0x4a: {  	_ =	shalt  }
0x4b: {  	_ =	shalt  }
0x4c: {  	_ =	shalt  }
0x4d: {  	_ =	shalt  }
0x4e: {  	_ =	shalt  }
0x4f: {  	_ =	shalt  }
0x50: {  	_ =	shalt  }
0x51: {  	_ =	shalt  }
0x52: {  	_ =	shalt  }
0x53: {  	_ =	shalt  }
0x54: {  	_ =	shalt  }
0x55: {  	_ =	shalt  }
0x56: {  	_ =	shalt  }
0x57: {  	_ =	shalt  }
0x58: {  	_ =	shalt  }
0x59: {  	_ =	shalt  }
0x5a: {  	_ =	shalt  }
0x5b: {  	_ =	shalt  }
0x5c: {  	_ =	shalt  }
0x5d: {  	_ =	shalt  }
0x5e: {  	_ =	shalt  }
0x5f: {  	_ =	shalt  }
0x60: {  	_ =	shalt  }
0x61: {  	_ =	shalt  }
0x62: {  	_ =	shalt  }
0x63: {  	_ =	shalt  }
0x64: {  	_ =	shalt  }
0x65: {  	_ =	shalt  }
0x66: {  	_ =	shalt  }
0x67: {  	_ =	shalt  }
0x68: {  	_ =	shalt  }
0x69: {  	_ =	shalt  }
0x6a: {  	_ =	shalt  }
0x6b: {  	_ =	shalt  }
0x6c: {  	_ =	shalt  }
0x6d: {  	_ =	shalt  }
0x6e: {  	_ =	shalt  }
0x6f: {  	_ =	shalt  }
0x70: {  	_ =	shalt  }
0x71: {  	_ =	shalt  }
0x72: {  	_ =	shalt  }
0x73: {  	_ =	shalt  }
0x74: {  	_ =	shalt  }
0x75: {  	_ =	shalt  }
0x76: {  	_ =	shalt  }
0x77: {  	_ =	shalt  }
0x78: {  	_ =	shalt  }
0x79: {  	_ =	shalt  }
0x7a: {  	_ =	shalt  }
0x7b: {  	_ =	shalt  }
0x7c: {  	_ =	shalt  }
0x7d: {  	_ =	shalt  }
0x7e: {  	_ =	shalt  }
0x7f: {  	_ =	shalt  }
0x80: {  	_ =	shalt  }
0x81: {  	_ =	shalt  }
0x82: {  	_ =	shalt  }
0x83: {  	_ =	shalt  }
0x84: {  	_ =	shalt  }
0x85: {  	_ =	shalt  }
0x86: {  	_ =	shalt  }
0x87: {  	_ =	shalt  }
.Lfunc_end0:
.L_simem_size_0:
called_computation.1_lowered:
.L_overlay_start_0:
0x88: {  	s2 =	sld [smem:$0x3FD9]  }
0x89: {  	s3 =	sld [smem:$0x3FFE];
	_ =	sdelay $0x1  }
0x8a: {  	s1 =	srdreg.scid  }
0x8b: {  	s0 =	sand.u32 $0x1, s1  }
0x8c: {  	s16 =	sshll.u32 s0, $0xA;
	s2 =	sadd.s32 s3, s2  }
0x8d: {  	s2 =	sadd.s32 s2, s16  }
0x8e: {  	[smem:$0x3FC0] =	sst s2  }
0x8f: {  	_ = 	snop  }
0x90: {  	(tm) =	ssettm $0x1  }
0x91: {  	s17 =	sld [smem:$0x3FFB];
	_ =	sdelay $0x3  }
0x92: {  	_ =	strace s17  }
0x93: {  	s2 =	sld [smem:$0x3FFC];
	_ =	sdelay $0x3  }
0x94: {  	_ =	strace s2  }
0x95: {  	s2 =	sld [smem:$0x3FFD];
	_ =	sdelay $0x3  }
0x96: {  	_ =	strace s2  }
0x97: {  	_ =	strace $0x8FFFFFFF  }
0x98: {  	s18 =	sld [smem:$0x3FDB];
	_ =	sdelay $0x1  }
0x99: {  	s19 =	simm.s32 $_scs_section_size  }
0x9a: {  	s4 =	simm.s32 $_size__tile_overlayer_lowered;
	s5 =	simm.s32 $_tile_overlayer_lowered  }
0x9b: {  	s22 =	simm.s32 $0x1BFF;
	s21 =	sshll.u32 s5, $0x1;
	s2 =	sadd.s32 s19, s18  }
0x9c: {  	s6 =	simm.s32 $0x0;
	s20 =	sshll.u32 s4, $0x1;
	s4 =	sadd.s32 s21, s2  }
0x9d: {  	[timem:s6], [sflag:s22] =	dma.local [hbm:s4], s20  }
0x9e: {  	_ =	swait.ge [sflag:s22], s20  }
0x9f: {  	s3 =	ssub.s32 $0x0, s20;
	[sflag:s22] =	ssyncset.done $0x0  }
0xa0: {  	[sflag:s22] =	ssyncadd.s32 s3;
	_ =	sdelay $0x1  }
0xa1: {  	s23 =	simm.s32 $0x1B8B  }
0xa2: {  	_ =	swait.ge [sflag:s23], $0x1  }
0xa3: {  	[sflag:s23] =	ssyncset.done $0x0  }
0xa4: {  	s25 =	simm.s32 $0x1B8E;
	s24 =	sld [smem:$0x3FFE];
	[sflag:s23] =	ssyncadd.s32 $0xFFFFFFFF  }
0xa5: {  	s26 =	simm.s32 $execute0_lowered;
	[smem:$0x3FD2] =	sst s25  }
0xa6: {  	s4 =	sshll.u32 s26, $0x1;
	_ =	strace $0x80000049;
	[dreg:$0x1] =	wrdreg $0xFFFFFFFF  }
0xa7: {  	s28 =	simm.s32 $_size_execute0_lowered;
	s2 =	sadd.s32 s2, s4;
	[dreg:$0x0] =	wrdreg $0x0  }
0xa8: {  	s4 =	sshll.u32 s28, $0x1;
	[dreg:$0x2] =	wrdreg s2  }
0xa9: {  	[dreg:$0x3] =	wrdreg s4  }
0xaa: {  	[dreg:$0x4] =	wrdreg $0xC0  }
0xab: {  	_ =	task [dreg:s6], $0x5FFFF  }
0xac: {  	[dreg:$0x1] =	wrdreg $0xFFFFFFFF  }
0xad: {  	[dreg:$0x0] =	wrdreg $0x60  }
0xae: {  	[dreg:$0x2] =	wrdreg s24  }
0xaf: {  	[dreg:$0x3] =	wrdreg $0x0  }
0xb0: {  	[dreg:$0x4] =	wrdreg $0x9  }
0xb1: {  	_ =	task.clear_ibuf [dreg:s6], $0x5FFFF;
	_ =	strace $0x90000049  }
0xb2: {  	s29 =	simm.s32 $0x9;
	_ =	strace $0x8000004B  }
0xb3: {  	_ =	swait.ge [sflag:s29], $0x1  }
0xb4: {  	[sflag:s29] =	ssyncadd.s32 $0xFFFFFFFF  }
0xb5: {  	_ =	strace $0x9000004B  }
0xb6: {  	_ =	sfence  }
0xb7: {  	s30 =	sld [smem:$0x0];
	_ =	sdelay $0x2  }
0xb8: {  	s31 =	sshll.u32 s1, $0xD;
	s1 =	sshrl.u32 s1, $0x2  }
0xb9: {  	s3 =	sand.u32 $0x4000, s31;
	s1 =	sadd.s32 s1, s30  }
0xba: {  	s0 =	sor.u32 s3, s0;
	s1 =	sshll.u32 s1, $0x11  }
0xbb: {  	s0 =	sor.u32 s1, s0  }
0xbc: {  	s0 =	sadd.s32 $0x8F2B, s0  }
0xbd: {  	[sflag:s0] =	ssyncadd.remote.s32 $0x1  }
0xbe: {  	_ =	sfence.sel $0xFFFF  }
0xbf: {  	[dreg:$0x0] =	wrdreg $0xFFFFFFFF;
	(pc) =	sbr.abs _section_cstart, $3  }
0xc0: {  	[dreg:$0x1] =	wrdreg $0xFFFFFFFF  }
0xc1: {  	_ =	task.clear_ibuf [dreg:s6], $0x2FFFF;
	_ =	strace $0x9FFFFFFF  }
0xc2: {  	(tm) =	ssettm $0x7FFFFFFF  }
0xc3: {  	_ =	shalt  }
tec
execute0_lowered:
.L_overlay_start_1:
0x0: {  	(tag) =	ssettag $0x1  }
0x1: {  	s5 =	rddreg [dreg:$0x0]  }
0x2: {  	s2 =	rddreg [dreg:$0x1]  }
0x3: {  	s0 =	rddreg [dreg:$0x2]  }
0x4: {  	s1 =	stileid.u32;
	s6 =	srdreg.scid;
	s3 =	simm.s32 $0x0  }
0x5: {  	s14 =	simm.s32 $0x80;
	s15 =	simm.s32 $0x14100;
	s4 =	smul.u32 $0xA00, s1  }
0x6: {  	s16 =	simm.s32 $0x1;
	s17 =	simm.s32 $0x14080;
	s7 =	smul.u32 $0x14000, s1  }
0x7: {  	s18 =	simm.s32 $0x0;
	s6 =	sand.u32 $0x1, s6;
	s10 =	smul.u32 $0x50000, s1  }
0x8: {  	[smem:$0x7FF] =	sst s3;
	s30 =	sshll.u32 s1, $0x6;
	s8 =	smul.u32 $0x140000, s6  }
0x9: {  	_ =	strace $0x8000004A;
	s29 =	ssub.s32 $0x2, s6;
	s12 =	smul.u32 $0x500, s6  }
0xa: {  	s6 =	sor.u32 $0x1C02, s30;
	s9 =	sadd.s32 s4, s5;
	s4 =	sadd.s32 $0xD800, s5  }
0xb: {  	s11 =	sshrl.u32 s29, $0x1;
	s10 =	sshrl.u32 s10, $0x2;
	s8 =	sadd.s32 s7, s8  }
0xc: {  	s7 =	sshrl.u32 s7, $0x3;
	s11 =	ssub.s32 s29, s11;
	s13 =	sadd.s32 s10, s2  }
0xd: {  	s31 =	sadd.s32 s12, s9;
	s12 =	simm.s32 $0x2;
	s8 =	sshrl.u32 s8, $0x3  }
0xe: {  	s7 =	sadd.s32 s7, s5;
	s9 =	sadd.s32 $0x3800, s31;
	s8 =	sadd.s32 s8, s5  }
0xf: {  	s10 =	sadd.s32 $0x36800, s31;
	s5 =	sadd.s32 $0x40800, s7;
	s7 =	sadd.s32 $0x68800, s8  }
0x10: {  	s8 =	smax.u32 s11, $0x1;
	s11 =	sshrl.u32 s13, $0x3;
	s13 =	simm.s32 $0x14000  }
.LBB2_1:
0x11: {  	[spmem:s11], [sflag:s6] =	dma.local [hbm:s5], $0x2800  }
0x12: {  	_ =	swait.ge [sflag:s12], $0x2800  }
0x13: {  	[sflag:s12] =	ssyncset.done $0x0  }
0x14: {  	[sflag:s12] =	ssyncadd.s32 $0xFFFFD800  }
0x15: {  	s19 =	sadd.s32 $0x0, s10;
	[bflag:$0x0] =	sbarrier.arrive $0xFFFF  }
0x16: {  	[tilespmem:s13], [sflag:$0x2] =	stream.linear.gather [hbm4b:s19+s3], $0x80, $0x38;
	[tilespmem:$0x18100] =	vst v63  }
0x17: {  	_ =	swait.ge [sflag:s12], $0x80  }
0x18: {  	[sflag:s12] =	ssyncset.done $0x0  }
0x19: {  	[sflag:s12] =	ssyncadd.s32 $0xFFFFFF80  }
0x1a: {  	[tilespmem:s15], [sflag:$0x1] =	stream.indirect.gather [hbm4b:s4+s14], $0x80, s13, s14, $0xb8;
	[tilespmem:$0x18100] =	vst v63  }
0x1b: {  	_ =	swait.ge [sflag:s16], $0x4000  }
0x1c: {  	[sflag:s16] =	ssyncset.done $0x0  }
0x1d: {  	s31 =	sadd.s32 $0x0, s9;
	[sflag:s16] =	ssyncadd.s32 $0xFFFFC000  }
0x1e: {  	[tilespmem:s17], [sflag:$0x2] =	stream.linear.gather [hbm4b:s31+s3], $0x80, $0x38;
	[tilespmem:$0x18100] =	vst v63  }
0x1f: {  	_ =	swait.ge [sflag:s12], $0x80  }
0x20: {  	[sflag:s12] =	ssyncset.done $0x0  }
0x21: {  	[sflag:s12] =	ssyncadd.s32 $0xFFFFFF80  }
0x22: {  	[spmem:s2] =	stream.indirect.scatter.add.f32 [tilespmem:s15], [sflag:$0x2], $0x80, s17, s14, $0xb8;
	[tilespmem:$0x18100] =	vst v63  }
0x23: {  	_ =	swait.ge [sflag:s12], $0x4000  }
0x24: {  	s20 =	simm.s32 $0x20;
	s19 =	simm.s32 $0x10;
	[sflag:s12] =	ssyncset.done $0x0  }
.LBB2_2:
0x25: {  	s21 =	sadd.s32 s19, s10  }
0x26: {  	[sflag:s12] =	ssyncadd.s32 $0xFFFFC000;
	s22 =	smov.u32 s20;
	s23 =	sadd.s32 $0x10, s20  }
0x27: {  	[tilespmem:s13], [sflag:$0x2] =	stream.linear.gather [hbm4b:s21+s3], $0x80, $0x38;
	[tilespmem:$0x18100] =	vst v63  }
0x28: {  	p0 =	sne.s32 s20, $0x4F0;
	_ =	swait.ge [sflag:s12], $0x80  }
0x29: {  	[sflag:s12] =	ssyncset.done $0x0  }
0x2a: {  	[sflag:s12] =	ssyncadd.s32 $0xFFFFFF80  }
0x2b: {  	[tilespmem:s15], [sflag:$0x1] =	stream.indirect.gather [hbm4b:s4+s14], $0x80, s13, s14, $0xb8;
	[tilespmem:$0x18100] =	vst v63  }
0x2c: {  	_ =	swait.ge [sflag:s16], $0x4000  }
0x2d: {  	[sflag:s16] =	ssyncset.done $0x0  }
0x2e: {  	s20 =	sadd.s32 s19, s9;
	s19 =	smov.u32 s22;
	[sflag:s16] =	ssyncadd.s32 $0xFFFFC000  }
0x2f: {  	[tilespmem:s17], [sflag:$0x2] =	stream.linear.gather [hbm4b:s20+s3], $0x80, $0x38;
	[tilespmem:$0x18100] =	vst v63  }
0x30: {  	_ =	swait.ge [sflag:s12], $0x80  }
.Ltmp0:
0x31: {  	[sflag:s12] =	ssyncset.done $0x0;
	(pc) =	sbr.rel @p0 .LBB2_2-.Ltmp0, $4  }
0x32: {  	[sflag:s12] =	ssyncadd.s32 $0xFFFFFF80  }
0x33: {  	[spmem:s2] =	stream.indirect.scatter.add.f32 [tilespmem:s15], [sflag:$0x2], $0x80, s17, s14, $0xb8;
	[tilespmem:$0x18100] =	vst v63  }
0x34: {  	_ =	swait.ge [sflag:s12], $0x4000  }
0x35: {  	s20 =	smov.u32 s23;
	[sflag:s12] =	ssyncset.done $0x0  }
0x36: {  	s20 =	sadd.s32 s19, s10;
	[sflag:s12] =	ssyncadd.s32 $0xFFFFC000  }
0x37: {  	[tilespmem:s13], [sflag:$0x2] =	stream.linear.gather [hbm4b:s20+s3], $0x80, $0x38;
	[tilespmem:$0x18100] =	vst v63  }
0x38: {  	_ =	swait.ge [sflag:s12], $0x80  }
0x39: {  	[sflag:s12] =	ssyncset.done $0x0  }
0x3a: {  	[sflag:s12] =	ssyncadd.s32 $0xFFFFFF80  }
0x3b: {  	[tilespmem:s15], [sflag:$0x1] =	stream.indirect.gather [hbm4b:s4+s14], $0x80, s13, s14, $0xb8;
	[tilespmem:$0x18100] =	vst v63  }
0x3c: {  	_ =	swait.ge [sflag:s16], $0x4000  }
0x3d: {  	[sflag:s16] =	ssyncset.done $0x0  }
0x3e: {  	s31 =	sadd.s32 s19, s9;
	[sflag:s16] =	ssyncadd.s32 $0xFFFFC000  }
0x3f: {  	[tilespmem:s17], [sflag:$0x2] =	stream.linear.gather [hbm4b:s31+s3], $0x80, $0x38;
	[tilespmem:$0x18100] =	vst v63  }
0x40: {  	_ =	swait.ge [sflag:s12], $0x80  }
0x41: {  	[sflag:s12] =	ssyncset.done $0x0  }
0x42: {  	[sflag:s12] =	ssyncadd.s32 $0xFFFFFF80  }
0x43: {  	[spmem:s2] =	stream.indirect.scatter.add.f32 [tilespmem:s15], [sflag:$0x2], $0x80, s17, s14, $0xb8;
	[tilespmem:$0x18100] =	vst v63  }
0x44: {  	_ =	swait.ge [sflag:s12], $0x4000  }
0x45: {  	s18 =	sadd.s32 $0x1, s18;
	[sflag:s12] =	ssyncset.done $0x0  }
0x46: {  	p0 =	sne.s32 s18, s8;
	[sflag:s12] =	ssyncadd.s32 $0xFFFFC000  }
.Ltmp1:
0x47: {  	[bflag:$0x0] =	sbarrier.arrive $0xFFFF;
	(pc) =	sbr.rel @p0 .LBB2_1-.Ltmp1, $4  }
0x48: {  	[hbm:s7], [sflag:s6] =	dma.local [spmem:s11], $0x2800  }
0x49: {  	_ =	swait.ge [sflag:s12], $0x2800  }
0x4a: {  	[sflag:s12] =	ssyncset.done $0x0  }
0x4b: {  	[sflag:s12] =	ssyncadd.s32 $0xFFFFD800  }
0x4c: {  	_ =	sfence.sel $0x180000  }
0x4d: {  	[bflag:$0x0] =	sbarrier.arrive $0xFFFF  }
0x4e: {  	p0 =	sne.s32 s1, $0x0;
	_ =	strace $0x9000004A  }
0x4f: {  	s0 =	sadd.s32 @!p0 $0x100000, s0;
	[bflag:$0x2] =	sbarrier.arrive $0xFFFF  }
0x50: {  	[sflag:s0] =	ssyncadd.tile.s32 @!p0 $0x1;
	_ =	shalt  }
.Lfunc_end2:
_tile_overlayer_lowered:
.L_overlay_start_2:
0x51: {  	(tag) =	ssettag $0x2  }
0x52: {  	s0 =	rddreg [dreg:$0x0];
	s2 =	stileid.u32  }
0x53: {  	s1 =	rddreg [dreg:$0x1];
	p0 =	sne.s32 s2, $0x0  }
0x54: {  	s3 =	rddreg [dreg:$0x2];
	[bflag:$0x3] =	sbarrier.arrive $0xFFFF;
	s2 =	simm.s32 @!p0 $0x1C02  }
0x55: {  	[timem:s3], [sflag:s2] =	dma.local @!p0 [hbm:s0], s1  }
0x56: {  	s0 =	simm.s32 @!p0 $0x2  }
0x57: {  	_ =	swait.ge @!p0 [sflag:s0], s1  }
0x58: {  	s1 =	ssub.s32 @!p0 $0x0, s1;
	[sflag:s0] =	ssyncset.done @!p0 $0x0  }
0x59: {  	[sflag:s0] =	ssyncadd.s32 @!p0 s1  }
0x5a: {  	[bflag:$0x3] =	sbarrier.arrive $0xFFFF  }
0x5b: {  	_ =	shalt  }

// kernel: kernel.16.cloned.1.call-start
scs
__scs_entry_jumppad:
0x0: {  	(pc) =	sbr.rel $0x88, $3  }
0x1: {  	(tag) =	ssettag $0x0;
	lr =	simm.s32 $0x1  }
0x2: {  	[smem:$0x3F99] =	sst lr;
	_ =	strace $0xD0000000  }
0x3: {  	_ = 	snop  }
0x4: {  	_ = 	snop  }
0x5: {  	_ = 	snop  }
0x6: {  	_ = 	snop  }
0x7: {  	_ = 	snop  }
__scs_overlays_trampoline_lowered:
0x8: {  	[smem:$0x3FA8] =	sst s0  }
0x9: {  	[smem:$0x3FA9] =	sst s1  }
0xa: {  	[smem:$0x3FAA] =	sst s2  }
0xb: {  	[smem:$0x3FAB] =	sst s3  }
0xc: {  	[smem:$0x3FAC] =	sst s4  }
0xd: {  	[smem:$0x3FAD] =	sst s5  }
0xe: {  	[smem:$0x3FAE] =	sst s6  }
0xf: {  	[smem:$0x3FAF] =	sst s7  }
0x10: {  	[smem:$0x3FB0] =	sst s8  }
0x11: {  	[smem:$0x3FB1] =	sst s9;
	s0 =	simm.s32 @!p0 $0x0  }
0x12: {  	s1 =	sld [smem:$0x3F97];
	s0 =	simm.s32 @p0 $0x1  }
0x13: {  	[smem:$0x3FB2] =	sst s0;
	s0 =	simm.s32 @!p1 $0x0  }
0x14: {  	s2 =	sld [smem:$0x3F96];
	s0 =	simm.s32 @p1 $0x1  }
0x15: {  	[smem:$0x3FB3] =	sst s0;
	s0 =	simm.s32 @!p2 $0x0  }
0x16: {  	s3 =	sld [smem:$0x3FDB];
	s0 =	simm.s32 @p2 $0x1  }
0x17: {  	s4 =	simm.s32 $0x1BF5;
	[smem:$0x3FB5] =	sst s0  }
0x18: {  	s0 =	sld [smem:$0x3F98];
	_ =	swait.ge [sflag:s4], $0x0  }
0x19: {  	s7 =	sld [smem:$0x3F99]  }
0x1a: {  	s8 =	sadd.s32 $0xFFFFE003, lr  }
0x1b: {  	s9 =	sadd.s32 $0xFFFFFEF7, lr;
	s5 =	simm.s32 $0xFFFFFFFF;
	p2 =	slt.u32 s8, $0xFFFFF086  }
0x1c: {  	p1 =	slt.u32 s9, $0xF7A;
	s5 =	simm.s32 @!p2 $0x0  }
0x1d: {  	s5 =	simm.s32 @p1 $0x1;
	p0 =	seq.s32 s7, s2  }
0x1e: {  	s7 =	smul.u32 @!p0 $0xF7A, s2;
	p2 =	seq.s32 @!p0 s5, $0x0  }
0x1f: {  	s9 =	smul.u32 $0xF7A, s1;
	s8 =	simm.s32 @!p0 $0x1BF5;
	p2 =	por !p2, p0  }
0x20: {  	[sflag:s8] =	ssyncset.s32 @!p0 $0xFFFFF086;
	s6 =	sadd.s32 @!p0 s3, s7;
	s7 =	simm.s32 @!p0 $0x108  }
0x21: {  	s3 =	sadd.s32 s3, s9;
	s6 =	sadd.s32 @!p0 $0x88, s6;
	s7 =	simm.s32 @p2 $0x1082  }
0x22: {  	[simem:s7], [sflag:s8] =	dma.local @!p0 [hbm:s6], $0xF7A  }
0x23: {  	s9 =	sor.u32 $0xD0000000, s2;
	s6 =	simm.s32 $0x108;
	_ =	swait.ge @!p0 [sflag:s8], $0x0  }
0x24: {  	s3 =	sadd.s32 $0x88, s3;
	s6 =	simm.s32 @!p1 $0x1082;
	[sflag:s4] =	ssyncset.s32 $0xFFFFF086  }
0x25: {  	[simem:s6], [sflag:s4] =	dma.local [hbm:s3], $0xF7A  }
0x26: {  	[smem:$0x3F99] =	sst s1;
	(tag) =	ssettag s2;
	_ =	strace s9  }
0x27: {  	s1 =	sld [smem:$0x3FA9]  }
0x28: {  	s2 =	sld [smem:$0x3FAA]  }
0x29: {  	s4 =	sld [smem:$0x3FAC]  }
0x2a: {  	p0 =	seq.s32 s5, $0x0;
	s5 =	sld [smem:$0x3FAD]  }
0x2b: {  	s6 =	sld [smem:$0x3FAE]  }
0x2c: {  	s7 =	sld [smem:$0x3FAF]  }
0x2d: {  	s3 =	simm.s32 $0x108;
	s8 =	sld [smem:$0x3FB0]  }
0x2e: {  	s3 =	simm.s32 @!p0 $0x1082;
	s9 =	sld [smem:$0x3FB1]  }
0x2f: {  	lr =	sadd.s32 s0, s3;
	s0 =	sld [smem:$0x3FA8]  }
0x30: {  	s3 =	sld [smem:$0x3FAB]  }
0x31: {  	[smem:$0x3FB4] =	sst s10  }
0x32: {  	s10 =	sld [smem:$0x3FB2];
	_ =	sdelay $0x3  }
0x33: {  	p0 =	seq.s32 s10, $0x1;
	s10 =	sld [smem:$0x3FB4];
	_ =	sdelay $0x3  }
0x34: {  	[smem:$0x3FB4] =	sst s10  }
0x35: {  	s10 =	sld [smem:$0x3FB3];
	_ =	sdelay $0x3  }
0x36: {  	p1 =	seq.s32 s10, $0x1;
	s10 =	sld [smem:$0x3FB4];
	_ =	sdelay $0x3  }
0x37: {  	[smem:$0x3FB4] =	sst s10  }
0x38: {  	s10 =	sld [smem:$0x3FB5]  }
0x39: {  	_ = 	snop;
	(pc) =	sbr.ind lr, $3  }
0x3a: {  	_ = 	snop  }
0x3b: {  	_ = 	snop  }
0x3c: {  	p2 =	seq.s32 s10, $0x1;
	s10 =	sld [smem:$0x3FB4]  }
0x3d: {  	_ =	shalt  }
0x3e: {  	_ =	shalt  }
0x3f: {  	_ =	shalt  }
0x40: {  	_ =	shalt  }
0x41: {  	_ =	shalt  }
0x42: {  	_ =	shalt  }
0x43: {  	_ =	shalt  }
0x44: {  	_ =	shalt  }
0x45: {  	_ =	shalt  }
0x46: {  	_ =	shalt  }
0x47: {  	_ =	shalt  }
0x48: {  	_ =	shalt  }
0x49: {  	_ =	shalt  }
0x4a: {  	_ =	shalt  }
0x4b: {  	_ =	shalt  }
0x4c: {  	_ =	shalt  }
0x4d: {  	_ =	shalt  }
0x4e: {  	_ =	shalt  }
0x4f: {  	_ =	shalt  }
0x50: {  	_ =	shalt  }
0x51: {  	_ =	shalt  }
0x52: {  	_ =	shalt  }
0x53: {  	_ =	shalt  }
0x54: {  	_ =	shalt  }
0x55: {  	_ =	shalt  }
0x56: {  	_ =	shalt  }
0x57: {  	_ =	shalt  }
0x58: {  	_ =	shalt  }
0x59: {  	_ =	shalt  }
0x5a: {  	_ =	shalt  }
0x5b: {  	_ =	shalt  }
0x5c: {  	_ =	shalt  }
0x5d: {  	_ =	shalt  }
0x5e: {  	_ =	shalt  }
0x5f: {  	_ =	shalt  }
0x60: {  	_ =	shalt  }
0x61: {  	_ =	shalt  }
0x62: {  	_ =	shalt  }
0x63: {  	_ =	shalt  }
0x64: {  	_ =	shalt  }
0x65: {  	_ =	shalt  }
0x66: {  	_ =	shalt  }
0x67: {  	_ =	shalt  }
0x68: {  	_ =	shalt  }
0x69: {  	_ =	shalt  }
0x6a: {  	_ =	shalt  }
0x6b: {  	_ =	shalt  }
0x6c: {  	_ =	shalt  }
0x6d: {  	_ =	shalt  }
0x6e: {  	_ =	shalt  }
0x6f: {  	_ =	shalt  }
0x70: {  	_ =	shalt  }
0x71: {  	_ =	shalt  }
0x72: {  	_ =	shalt  }
0x73: {  	_ =	shalt  }
0x74: {  	_ =	shalt  }
0x75: {  	_ =	shalt  }
0x76: {  	_ =	shalt  }
0x77: {  	_ =	shalt  }
0x78: {  	_ =	shalt  }
0x79: {  	_ =	shalt  }
0x7a: {  	_ =	shalt  }
0x7b: {  	_ =	shalt  }
0x7c: {  	_ =	shalt  }
0x7d: {  	_ =	shalt  }
0x7e: {  	_ =	shalt  }
0x7f: {  	_ =	shalt  }
0x80: {  	_ =	shalt  }
0x81: {  	_ =	shalt  }
0x82: {  	_ =	shalt  }
0x83: {  	_ =	shalt  }
0x84: {  	_ =	shalt  }
0x85: {  	_ =	shalt  }
0x86: {  	_ =	shalt  }
0x87: {  	_ =	shalt  }
.Lfunc_end0:
.L_simem_size_0:
called_computation.2_lowered:
.L_overlay_start_0:
0x88: {  	s2 =	sld [smem:$0x3FD9]  }
0x89: {  	s3 =	sld [smem:$0x3FFE];
	_ =	sdelay $0x1  }
0x8a: {  	s1 =	srdreg.scid  }
0x8b: {  	s0 =	sand.u32 $0x1, s1  }
0x8c: {  	s16 =	sshll.u32 s0, $0xA;
	s2 =	sadd.s32 s3, s2  }
0x8d: {  	s2 =	sadd.s32 s2, s16  }
0x8e: {  	[smem:$0x3FC0] =	sst s2  }
0x8f: {  	_ = 	snop  }
0x90: {  	(tm) =	ssettm $0x1  }
0x91: {  	s17 =	sld [smem:$0x3FFB];
	_ =	sdelay $0x3  }
0x92: {  	_ =	strace s17  }
0x93: {  	s2 =	sld [smem:$0x3FFC];
	_ =	sdelay $0x3  }
0x94: {  	_ =	strace s2  }
0x95: {  	s2 =	sld [smem:$0x3FFD];
	_ =	sdelay $0x3  }
0x96: {  	_ =	strace s2  }
0x97: {  	_ =	strace $0x8FFFFFFF  }
0x98: {  	s18 =	sld [smem:$0x3FDB];
	_ =	sdelay $0x1  }
0x99: {  	s19 =	simm.s32 $_scs_section_size  }
0x9a: {  	s4 =	simm.s32 $_size__tile_overlayer_lowered;
	s5 =	simm.s32 $_tile_overlayer_lowered  }
0x9b: {  	s22 =	simm.s32 $0x1BFF;
	s21 =	sshll.u32 s5, $0x1;
	s2 =	sadd.s32 s19, s18  }
0x9c: {  	s6 =	simm.s32 $0x0;
	s20 =	sshll.u32 s4, $0x1;
	s4 =	sadd.s32 s21, s2  }
0x9d: {  	[timem:s6], [sflag:s22] =	dma.local [hbm:s4], s20  }
0x9e: {  	_ =	swait.ge [sflag:s22], s20  }
0x9f: {  	s3 =	ssub.s32 $0x0, s20;
	[sflag:s22] =	ssyncset.done $0x0  }
0xa0: {  	[sflag:s22] =	ssyncadd.s32 s3;
	_ =	sdelay $0x1  }
0xa1: {  	s23 =	simm.s32 $0x1B8B  }
0xa2: {  	_ =	swait.ge [sflag:s23], $0x1  }
0xa3: {  	[sflag:s23] =	ssyncset.done $0x0  }
0xa4: {  	s25 =	simm.s32 $0x1B8E;
	s24 =	sld [smem:$0x3FFE];
	[sflag:s23] =	ssyncadd.s32 $0xFFFFFFFF  }
0xa5: {  	s26 =	simm.s32 $execute0_lowered;
	[smem:$0x3FD2] =	sst s25  }
0xa6: {  	s4 =	sshll.u32 s26, $0x1;
	_ =	strace $0x8000004C;
	[dreg:$0x1] =	wrdreg $0xFFFFFFFF  }
0xa7: {  	s28 =	simm.s32 $_size_execute0_lowered;
	s2 =	sadd.s32 s2, s4;
	[dreg:$0x0] =	wrdreg $0x0  }
0xa8: {  	s4 =	sshll.u32 s28, $0x1;
	[dreg:$0x2] =	wrdreg s2  }
0xa9: {  	[dreg:$0x3] =	wrdreg s4  }
0xaa: {  	[dreg:$0x4] =	wrdreg $0xC0  }
0xab: {  	_ =	task [dreg:s6], $0x5FFFF  }
0xac: {  	[dreg:$0x1] =	wrdreg $0xFFFFFFFF  }
0xad: {  	[dreg:$0x0] =	wrdreg $0x60  }
0xae: {  	[dreg:$0x2] =	wrdreg s24  }
0xaf: {  	[dreg:$0x3] =	wrdreg $0x0  }
0xb0: {  	[dreg:$0x4] =	wrdreg $0x9  }
0xb1: {  	_ =	task.clear_ibuf [dreg:s6], $0x5FFFF;
	_ =	strace $0x9000004C  }
0xb2: {  	s29 =	simm.s32 $0x9;
	_ =	strace $0x8000004E  }
0xb3: {  	_ =	swait.ge [sflag:s29], $0x1  }
0xb4: {  	[sflag:s29] =	ssyncadd.s32 $0xFFFFFFFF  }
0xb5: {  	_ =	strace $0x9000004E  }
0xb6: {  	_ =	sfence  }
0xb7: {  	s30 =	sld [smem:$0x0];
	_ =	sdelay $0x2  }
0xb8: {  	s31 =	sshll.u32 s1, $0xD;
	s1 =	sshrl.u32 s1, $0x2  }
0xb9: {  	s3 =	sand.u32 $0x4000, s31;
	s1 =	sadd.s32 s1, s30  }
0xba: {  	s0 =	sor.u32 s3, s0;
	s1 =	sshll.u32 s1, $0x11  }
0xbb: {  	s0 =	sor.u32 s1, s0  }
0xbc: {  	s0 =	sadd.s32 $0x8F2B, s0  }
0xbd: {  	[sflag:s0] =	ssyncadd.remote.s32 $0x1  }
0xbe: {  	_ =	sfence.sel $0xFFFF  }
0xbf: {  	[dreg:$0x0] =	wrdreg $0xFFFFFFFF;
	(pc) =	sbr.abs _section_cstart, $3  }
0xc0: {  	[dreg:$0x1] =	wrdreg $0xFFFFFFFF  }
0xc1: {  	_ =	task.clear_ibuf [dreg:s6], $0x2FFFF;
	_ =	strace $0x9FFFFFFF  }
0xc2: {  	(tm) =	ssettm $0x7FFFFFFF  }
0xc3: {  	_ =	shalt  }
tec
execute0_lowered:
.L_overlay_start_1:
0x0: {  	(tag) =	ssettag $0x1  }
0x1: {  	s5 =	rddreg [dreg:$0x0]  }
0x2: {  	s2 =	rddreg [dreg:$0x1]  }
0x3: {  	s0 =	rddreg [dreg:$0x2]  }
0x4: {  	s1 =	stileid.u32;
	s6 =	srdreg.scid;
	s3 =	simm.s32 $0x0  }
0x5: {  	s14 =	simm.s32 $0x80;
	s15 =	simm.s32 $0x14100;
	s4 =	smul.u32 $0xA00, s1  }
0x6: {  	s16 =	simm.s32 $0x1;
	s17 =	simm.s32 $0x14080;
	s7 =	smul.u32 $0x14000, s1  }
0x7: {  	s18 =	simm.s32 $0x0;
	s6 =	sand.u32 $0x1, s6;
	s10 =	smul.u32 $0x50000, s1  }
0x8: {  	[smem:$0x7FF] =	sst s3;
	s30 =	sshll.u32 s1, $0x6;
	s8 =	smul.u32 $0x140000, s6  }
0x9: {  	_ =	strace $0x8000004D;
	s29 =	ssub.s32 $0x2, s6;
	s12 =	smul.u32 $0x500, s6  }
0xa: {  	s6 =	sor.u32 $0x1C02, s30;
	s9 =	sadd.s32 s4, s5;
	s4 =	sadd.s32 $0xD800, s5  }
0xb: {  	s11 =	sshrl.u32 s29, $0x1;
	s10 =	sshrl.u32 s10, $0x2;
	s8 =	sadd.s32 s7, s8  }
0xc: {  	s7 =	sshrl.u32 s7, $0x3;
	s11 =	ssub.s32 s29, s11;
	s13 =	sadd.s32 s10, s2  }
0xd: {  	s31 =	sadd.s32 s12, s9;
	s12 =	simm.s32 $0x2;
	s8 =	sshrl.u32 s8, $0x3  }
0xe: {  	s7 =	sadd.s32 s7, s5;
	s9 =	sadd.s32 $0x3800, s31;
	s8 =	sadd.s32 s8, s5  }
0xf: {  	s10 =	sadd.s32 $0x36800, s31;
	s5 =	sadd.s32 $0x40800, s7;
	s7 =	sadd.s32 $0xB8800, s8  }
0x10: {  	s8 =	smax.u32 s11, $0x1;
	s11 =	sshrl.u32 s13, $0x3;
	s13 =	simm.s32 $0x14000  }
.LBB2_1:
0x11: {  	[spmem:s11], [sflag:s6] =	dma.local [hbm:s5], $0x2800  }
0x12: {  	_ =	swait.ge [sflag:s12], $0x2800  }
0x13: {  	[sflag:s12] =	ssyncset.done $0x0  }
0x14: {  	[sflag:s12] =	ssyncadd.s32 $0xFFFFD800  }
0x15: {  	s19 =	sadd.s32 $0x0, s10;
	[bflag:$0x0] =	sbarrier.arrive $0xFFFF  }
0x16: {  	[tilespmem:s13], [sflag:$0x2] =	stream.linear.gather [hbm4b:s19+s3], $0x80, $0x38;
	[tilespmem:$0x18100] =	vst v63  }
0x17: {  	_ =	swait.ge [sflag:s12], $0x80  }
0x18: {  	[sflag:s12] =	ssyncset.done $0x0  }
0x19: {  	[sflag:s12] =	ssyncadd.s32 $0xFFFFFF80  }
0x1a: {  	[tilespmem:s15], [sflag:$0x1] =	stream.indirect.gather [hbm4b:s4+s14], $0x80, s13, s14, $0xb8;
	[tilespmem:$0x18100] =	vst v63  }
0x1b: {  	_ =	swait.ge [sflag:s16], $0x4000  }
0x1c: {  	[sflag:s16] =	ssyncset.done $0x0  }
0x1d: {  	s31 =	sadd.s32 $0x0, s9;
	[sflag:s16] =	ssyncadd.s32 $0xFFFFC000  }
0x1e: {  	[tilespmem:s17], [sflag:$0x2] =	stream.linear.gather [hbm4b:s31+s3], $0x80, $0x38;
	[tilespmem:$0x18100] =	vst v63  }
0x1f: {  	_ =	swait.ge [sflag:s12], $0x80  }
0x20: {  	[sflag:s12] =	ssyncset.done $0x0  }
0x21: {  	[sflag:s12] =	ssyncadd.s32 $0xFFFFFF80  }
0x22: {  	[spmem:s2] =	stream.indirect.scatter.add.f32 [tilespmem:s15], [sflag:$0x2], $0x80, s17, s14, $0xb8;
	[tilespmem:$0x18100] =	vst v63  }
0x23: {  	_ =	swait.ge [sflag:s12], $0x4000  }
0x24: {  	s20 =	simm.s32 $0x20;
	s19 =	simm.s32 $0x10;
	[sflag:s12] =	ssyncset.done $0x0  }
.LBB2_2:
0x25: {  	s21 =	sadd.s32 s19, s10  }
0x26: {  	[sflag:s12] =	ssyncadd.s32 $0xFFFFC000;
	s22 =	smov.u32 s20;
	s23 =	sadd.s32 $0x10, s20  }
0x27: {  	[tilespmem:s13], [sflag:$0x2] =	stream.linear.gather [hbm4b:s21+s3], $0x80, $0x38;
	[tilespmem:$0x18100] =	vst v63  }
0x28: {  	p0 =	sne.s32 s20, $0x4F0;
	_ =	swait.ge [sflag:s12], $0x80  }
0x29: {  	[sflag:s12] =	ssyncset.done $0x0  }
0x2a: {  	[sflag:s12] =	ssyncadd.s32 $0xFFFFFF80  }
0x2b: {  	[tilespmem:s15], [sflag:$0x1] =	stream.indirect.gather [hbm4b:s4+s14], $0x80, s13, s14, $0xb8;
	[tilespmem:$0x18100] =	vst v63  }
0x2c: {  	_ =	swait.ge [sflag:s16], $0x4000  }
0x2d: {  	[sflag:s16] =	ssyncset.done $0x0  }
0x2e: {  	s20 =	sadd.s32 s19, s9;
	s19 =	smov.u32 s22;
	[sflag:s16] =	ssyncadd.s32 $0xFFFFC000  }
0x2f: {  	[tilespmem:s17], [sflag:$0x2] =	stream.linear.gather [hbm4b:s20+s3], $0x80, $0x38;
	[tilespmem:$0x18100] =	vst v63  }
0x30: {  	_ =	swait.ge [sflag:s12], $0x80  }
.Ltmp0:
0x31: {  	[sflag:s12] =	ssyncset.done $0x0;
	(pc) =	sbr.rel @p0 .LBB2_2-.Ltmp0, $4  }
0x32: {  	[sflag:s12] =	ssyncadd.s32 $0xFFFFFF80  }
0x33: {  	[spmem:s2] =	stream.indirect.scatter.add.f32 [tilespmem:s15], [sflag:$0x2], $0x80, s17, s14, $0xb8;
	[tilespmem:$0x18100] =	vst v63  }
0x34: {  	_ =	swait.ge [sflag:s12], $0x4000  }
0x35: {  	s20 =	smov.u32 s23;
	[sflag:s12] =	ssyncset.done $0x0  }
0x36: {  	s20 =	sadd.s32 s19, s10;
	[sflag:s12] =	ssyncadd.s32 $0xFFFFC000  }
0x37: {  	[tilespmem:s13], [sflag:$0x2] =	stream.linear.gather [hbm4b:s20+s3], $0x80, $0x38;
	[tilespmem:$0x18100] =	vst v63  }
0x38: {  	_ =	swait.ge [sflag:s12], $0x80  }
0x39: {  	[sflag:s12] =	ssyncset.done $0x0  }
0x3a: {  	[sflag:s12] =	ssyncadd.s32 $0xFFFFFF80  }
0x3b: {  	[tilespmem:s15], [sflag:$0x1] =	stream.indirect.gather [hbm4b:s4+s14], $0x80, s13, s14, $0xb8;
	[tilespmem:$0x18100] =	vst v63  }
0x3c: {  	_ =	swait.ge [sflag:s16], $0x4000  }
0x3d: {  	[sflag:s16] =	ssyncset.done $0x0  }
0x3e: {  	s31 =	sadd.s32 s19, s9;
	[sflag:s16] =	ssyncadd.s32 $0xFFFFC000  }
0x3f: {  	[tilespmem:s17], [sflag:$0x2] =	stream.linear.gather [hbm4b:s31+s3], $0x80, $0x38;
	[tilespmem:$0x18100] =	vst v63  }
0x40: {  	_ =	swait.ge [sflag:s12], $0x80  }
0x41: {  	[sflag:s12] =	ssyncset.done $0x0  }
0x42: {  	[sflag:s12] =	ssyncadd.s32 $0xFFFFFF80  }
0x43: {  	[spmem:s2] =	stream.indirect.scatter.add.f32 [tilespmem:s15], [sflag:$0x2], $0x80, s17, s14, $0xb8;
	[tilespmem:$0x18100] =	vst v63  }
0x44: {  	_ =	swait.ge [sflag:s12], $0x4000  }
0x45: {  	s18 =	sadd.s32 $0x1, s18;
	[sflag:s12] =	ssyncset.done $0x0  }
0x46: {  	p0 =	sne.s32 s18, s8;
	[sflag:s12] =	ssyncadd.s32 $0xFFFFC000  }
.Ltmp1:
0x47: {  	[bflag:$0x0] =	sbarrier.arrive $0xFFFF;
	(pc) =	sbr.rel @p0 .LBB2_1-.Ltmp1, $4  }
0x48: {  	[hbm:s7], [sflag:s6] =	dma.local [spmem:s11], $0x2800  }
0x49: {  	_ =	swait.ge [sflag:s12], $0x2800  }
0x4a: {  	[sflag:s12] =	ssyncset.done $0x0  }
0x4b: {  	[sflag:s12] =	ssyncadd.s32 $0xFFFFD800  }
0x4c: {  	_ =	sfence.sel $0x180000  }
0x4d: {  	[bflag:$0x0] =	sbarrier.arrive $0xFFFF  }
0x4e: {  	p0 =	sne.s32 s1, $0x0;
	_ =	strace $0x9000004D  }
0x4f: {  	s0 =	sadd.s32 @!p0 $0x100000, s0;
	[bflag:$0x2] =	sbarrier.arrive $0xFFFF  }
0x50: {  	[sflag:s0] =	ssyncadd.tile.s32 @!p0 $0x1;
	_ =	shalt  }
.Lfunc_end2:
_tile_overlayer_lowered:
.L_overlay_start_2:
0x51: {  	(tag) =	ssettag $0x2  }
0x52: {  	s0 =	rddreg [dreg:$0x0];
	s2 =	stileid.u32  }
0x53: {  	s1 =	rddreg [dreg:$0x1];
	p0 =	sne.s32 s2, $0x0  }
0x54: {  	s3 =	rddreg [dreg:$0x2];
	[bflag:$0x3] =	sbarrier.arrive $0xFFFF;
	s2 =	simm.s32 @!p0 $0x1C02  }
0x55: {  	[timem:s3], [sflag:s2] =	dma.local @!p0 [hbm:s0], s1  }
0x56: {  	s0 =	simm.s32 @!p0 $0x2  }
0x57: {  	_ =	swait.ge @!p0 [sflag:s0], s1  }
0x58: {  	s1 =	ssub.s32 @!p0 $0x0, s1;
	[sflag:s0] =	ssyncset.done @!p0 $0x0  }
0x59: {  	[sflag:s0] =	ssyncadd.s32 @!p0 s1  }
0x5a: {  	[bflag:$0x3] =	sbarrier.arrive $0xFFFF  }
0x5b: {  	_ =	shalt  }

</sc_bundles>
